<compile_context>
chip_gen: v7x
topology: tpu7x:2x2x1
jax: 0.10.2.dev20260603
libtpu: 0.0.44.dev20260713+nightly
codegen_flags: <defaults>
</compile_context>

<pallas_src>
import functools

import jax
import jax.numpy as jnp
from jax import lax
from jax.experimental import pallas as pl
from jax.experimental.pallas import tpu as pltpu
from jax.experimental.pallas import tpu_sc as plsc

CODEBOOK = 8192
DIM = 256

BT = 512
BK = 2048

NC = 2
NS = 16
NW = NC * NS
CH = 128


def _dist_argmax_body(x_ref, e_ref, x2_ref, e2_ref, idx_ref, bv_ref, bi_ref):
    kb = pl.program_id(1)
    xb = x_ref[...]
    eb = e_ref[...]
    xe = lax.dot_general(
        eb.astype(jnp.bfloat16), xb.astype(jnp.bfloat16),
        (((1,), (1,)), ((), ())),
        preferred_element_type=jnp.float32)
    x2 = x2_ref[...]
    e2 = e2_ref[...]
    s = -((x2 - 2.0 * xe) + e2)
    lmax = jnp.max(s, axis=0, keepdims=True)
    rows = lax.broadcasted_iota(jnp.int32, s.shape, 0)
    li = jnp.min(jnp.where(s == lmax, rows, jnp.int32(2**30)),
                 axis=0, keepdims=True) + kb * BK
    lmax16 = lmax.astype(jnp.bfloat16).astype(jnp.float32)

    @pl.when(kb == 0)
    def _():
        bv_ref[...] = lmax16
        bi_ref[...] = li

    @pl.when(kb > 0)
    def _():
        better = lmax > bv_ref[...]
        bv_ref[...] = jnp.where(better, lmax16, bv_ref[...])
        bi_ref[...] = jnp.where(better, li, bi_ref[...])

    @pl.when(kb == pl.num_programs(1) - 1)
    def _():
        idx_ref[0] = bi_ref[...]


def _argmax_call(xf, embed):
    b = xf.shape[0]
    nt, nk = b // BT, CODEBOOK // BK
    x2 = jnp.sum(xf ** 2, axis=1, keepdims=True).reshape(1, b)
    e2 = jnp.sum(embed.T ** 2, axis=0, keepdims=True).reshape(CODEBOOK, 1)
    idx3 = pl.pallas_call(
        _dist_argmax_body,
        grid=(nt, nk),
        in_specs=[
            pl.BlockSpec((BT, DIM), lambda t, k: (t, 0)),
            pl.BlockSpec((BK, DIM), lambda t, k: (k, 0)),
            pl.BlockSpec((1, BT), lambda t, k: (0, t)),
            pl.BlockSpec((BK, 1), lambda t, k: (k, 0)),
        ],
        out_specs=pl.BlockSpec((1, 1, BT), lambda t, k: (t, 0, 0)),
        out_shape=jax.ShapeDtypeStruct((nt, 1, BT), jnp.int32),
        scratch_shapes=[
            pltpu.VMEM((1, BT), jnp.float32),
            pltpu.VMEM((1, BT), jnp.int32),
        ],
        compiler_params=pltpu.CompilerParams(
            dimension_semantics=("parallel", "arbitrary")),
    )(xf, embed, x2, e2)
    return idx3.reshape(-1)


def _sc_gather_hist(embed, idx):
    b = idx.shape[0]
    bpw = b // NW
    nch = bpw // CH
    idx3 = idx.reshape(NW, bpw)
    mesh = plsc.VectorSubcoreMesh(core_axis_name="c", subcore_axis_name="s")

    @functools.partial(
        pl.kernel, mesh=mesh,
        compiler_params=pltpu.CompilerParams(needs_layout_passes=False),
        out_type=(
            jax.ShapeDtypeStruct((b, DIM), jnp.float32),
            jax.ShapeDtypeStruct((NW, CODEBOOK), jnp.float32),
        ),
        scratch_types=[
            pltpu.VMEM((bpw,), jnp.int32),
            pltpu.VMEM((CH, DIM), jnp.float32),
            pltpu.VMEM((CH, DIM), jnp.float32),
            pltpu.VMEM((CODEBOOK,), jnp.float32),
            pltpu.SemaphoreType.DMA,
            pltpu.SemaphoreType.DMA,
        ],
    )
    def k(embed_hbm, idx_hbm, quant_hbm, counts_hbm,
          idx_v, rows_a, rows_b, hist_v, sem_a, sem_b):
        cid = lax.axis_index("c")
        sid = lax.axis_index("s")
        wid = sid * NC + cid
        base = wid * bpw

        pltpu.sync_copy(idx_hbm.at[wid], idx_v)

        def zero_hist(i, carry):
            hist_v[pl.ds(i * 16, 16)] = jnp.zeros((16,), jnp.float32)
            return carry

        lax.fori_loop(0, CODEBOOK // 16, zero_hist, 0)

        ones16 = jnp.full((16,), 1.0, jnp.float32)

        def hist_chunk(j):
            def hist16(l, c2):
                iv = idx_v[pl.ds(j * CH + l * 16, 16)]
                plsc.addupdate_scatter(hist_v, [iv], ones16)
                return c2

            lax.fori_loop(0, CH // 16, hist16, 0)

        def pair(i, carry):
            ja = 2 * i
            jb = 2 * i + 1
            cpa = pltpu.async_copy(
                embed_hbm.at[idx_v.at[pl.ds(ja * CH, CH)]], rows_a, sem_a)
            hist_chunk(ja)

            @pl.when(i > 0)
            def _():
                pltpu.make_async_copy(
                    embed_hbm.at[idx_v.at[pl.ds(jb * CH - 2 * CH, CH)]],
                    rows_b, sem_b).wait()
                pltpu.sync_copy(
                    rows_b, quant_hbm.at[pl.ds(base + (jb - 2) * CH, CH)])

            cpb = pltpu.async_copy(
                embed_hbm.at[idx_v.at[pl.ds(jb * CH, CH)]], rows_b, sem_b)
            hist_chunk(jb)
            cpa.wait()
            pltpu.sync_copy(rows_a, quant_hbm.at[pl.ds(base + ja * CH, CH)])
            return carry

        lax.fori_loop(0, nch // 2, pair, 0)
        pltpu.make_async_copy(
            embed_hbm.at[idx_v.at[pl.ds(bpw - CH, CH)]], rows_b, sem_b).wait()
        pltpu.sync_copy(rows_b, quant_hbm.at[pl.ds(base + bpw - CH, CH)])
        pltpu.sync_copy(hist_v, counts_hbm.at[wid])

    return k(embed, idx3)


def _perp_body(c_ref, out_ref, *, scale):
    tot = jnp.sum(c_ref[...], axis=0, keepdims=True)
    p = tot * scale
    t = p * jnp.log(p + 1e-10)
    out_ref[0, 0] = jnp.exp(-jnp.sum(t))


def _perp_call(counts, ntok):
    out = pl.pallas_call(
        functools.partial(_perp_body, scale=1.0 / ntok),
        in_specs=[pl.BlockSpec((NW, CODEBOOK), lambda: (0, 0))],
        out_specs=pl.BlockSpec(memory_space=pltpu.SMEM),
        out_shape=jax.ShapeDtypeStruct((1, 1), jnp.float32),
    )(counts)
    return out.reshape(())


def kernel(x, embed):
    shape = x.shape
    xf = x.reshape(-1, shape[-1])
    idx = _argmax_call(xf, embed)
    quant, counts = _sc_gather_hist(embed, idx)
    perp = _perp_call(counts, xf.shape[0])
    return quant.reshape(shape), perp

# --- scband reference (transcript-rebuilt; emitter-appended) ---
"""Pipeline reference for scband-kmeans-ema-5592047419507 (READ-ONLY COPY).

The authoritative reference and input builder live on the scoring server;
editing this copy changes nothing except your own understanding.
"""

import jax, jax.numpy as jnp
import numpy as np

CODEBOOK_SIZE = 8192
CODE_DIM = 256

def setup_inputs(seed: int = 0) -> dict:
    key = jax.random.key(seed)
    k1, k2 = jax.random.split(key)
    x = jax.random.normal(k1, (64, 1024, CODE_DIM), dtype=jnp.float32)
    # learned/buffer codebook (kmeans_init=False -> randn init, initted=True)
    embed = jax.random.normal(k2, (CODEBOOK_SIZE, CODE_DIM), dtype=jnp.float32)
    return {"x": x, "embed": embed}

def reference(x, embed):
    shape = x.shape
    flatten = x.reshape(-1, shape[-1])
    et = embed.T  # [d, K]
    # dist = -(||x||^2 - 2 x e^T + ||e||^2)
    dist = -(jnp.sum(flatten ** 2, axis=1, keepdims=True)
             - 2.0 * (flatten @ et)
             + jnp.sum(et ** 2, axis=0, keepdims=True))
    embed_ind_flat = jnp.argmax(dist, axis=-1)
    embed_ind = embed_ind_flat.reshape(shape[:-1])
    quantize = jnp.take(embed, embed_ind, axis=0)
    # codebook perplexity
    prob = jnp.bincount(embed_ind_flat, length=CODEBOOK_SIZE).astype(jnp.float32) / embed_ind_flat.shape[0]
    perp = jnp.exp(-jnp.sum(prob * jnp.log(prob + 1e-10)))
    # codebook_loss is None in the torch module; return quantize and perplexity
    return (quantize, perp)

if __name__ == "__main__":
    import jax
    _d = setup_inputs()
    print(jax.jit(kernel)(*tuple(_d.values())))

</pallas_src>

<mosaic_0001>
#map = affine_map<(d0, d1) -> (0, 0)>
module attributes {stable_mosaic.version = 14 : i64} {
  func.func @k(%arg0: i32, %arg1: i32, %arg2: memref<8192x256xf32, #tpu.memory_space<hbm>>, %arg3: memref<32x2048xi32, #tpu.memory_space<hbm>>, %arg4: memref<65536x256xf32, #tpu.memory_space<hbm>>, %arg5: memref<32x8192xf32, #tpu.memory_space<hbm>>, %arg6: memref<2048xi32, #tpu.memory_space<vmem>>, %arg7: memref<128x256xf32, #tpu.memory_space<vmem>>, %arg8: memref<128x256xf32, #tpu.memory_space<vmem>>, %arg9: memref<8192xf32, #tpu.memory_space<vmem>>, %arg10: memref<!tpu.dma_semaphore, #tpu.memory_space<semaphore_mem>>, %arg11: memref<!tpu.dma_semaphore, #tpu.memory_space<semaphore_mem>>) attributes {dimension_semantics = [#tpu.dimension_semantics<core_parallel>, #tpu.dimension_semantics<subcore_parallel>], iteration_bounds = array<i64: 2, 16>, scalar_prefetch = 0 : i64, scratch_operands = 6 : i64, tpu.core_type = #tpu.core_type<sc_vector_subcore>, window_params = [{transform_indices = #map}, {transform_indices = #map}, {transform_indices = #map}, {transform_indices = #map}]} {
    %mul3A = arith.constant 2 : i32
    %mul3A_0 = arith.muli %arg1, %mul3A : i32
    %add3A = arith.addi %mul3A_0, %arg0 : i32
    %mul3A_1 = arith.constant 2048 : i32
    %mul3A_2 = arith.muli %add3A, %mul3A_1 : i32
    "tpu.region"() ({
      %run_scoped3A = tpu.sem_alloc : memref<!tpu.dma_semaphore, #tpu.memory_space<semaphore_mem>>
      %dma_start3A = arith.constant 0 : i32
      %dma_start3A_22 = tpu.memref_slice %arg3[%add3A, %dma_start3A] : memref<32x2048xi32, #tpu.memory_space<hbm>> -> memref<1x2048xi32, #tpu.memory_space<hbm>>
      %dma_start3A_23 = tpu.memref_squeeze %dma_start3A_22 : memref<1x2048xi32, #tpu.memory_space<hbm>> -> memref<2048xi32, #tpu.memory_space<hbm>>
      %dma_start3A_24 = arith.constant 0 : i32
      %dma_start3A_25 = tpu.memref_slice %arg3[%add3A, %dma_start3A_24] : memref<32x2048xi32, #tpu.memory_space<hbm>> -> memref<1x2048xi32, #tpu.memory_space<hbm>>
      %dma_start3A_26 = tpu.memref_squeeze %dma_start3A_25 : memref<1x2048xi32, #tpu.memory_space<hbm>> -> memref<2048xi32, #tpu.memory_space<hbm>>
      tpu.enqueue_dma source(%dma_start3A_26 : memref<2048xi32, #tpu.memory_space<hbm>>) target(%arg6 : memref<2048xi32, #tpu.memory_space<vmem>>) target_semaphore(%run_scoped3A : memref<!tpu.dma_semaphore, #tpu.memory_space<semaphore_mem>>)
      %dma_wait3A_27 = arith.constant 0 : i32
      %dma_wait3A_28 = tpu.memref_slice %arg3[%add3A, %dma_wait3A_27] : memref<32x2048xi32, #tpu.memory_space<hbm>> -> memref<1x2048xi32, #tpu.memory_space<hbm>>
      %dma_wait3A_29 = tpu.memref_squeeze %dma_wait3A_28 : memref<1x2048xi32, #tpu.memory_space<hbm>> -> memref<2048xi32, #tpu.memory_space<hbm>>
      %dma_wait3A_30 = arith.constant 0 : i32
      %dma_wait3A_31 = tpu.memref_slice %arg3[%add3A, %dma_wait3A_30] : memref<32x2048xi32, #tpu.memory_space<hbm>> -> memref<1x2048xi32, #tpu.memory_space<hbm>>
      %dma_wait3A_32 = tpu.memref_squeeze %dma_wait3A_31 : memref<1x2048xi32, #tpu.memory_space<hbm>> -> memref<2048xi32, #tpu.memory_space<hbm>>
      tpu.wait_dma2 semaphore(%run_scoped3A : memref<!tpu.dma_semaphore, #tpu.memory_space<semaphore_mem>>) src(%dma_wait3A_32 : memref<2048xi32, #tpu.memory_space<hbm>>) dst(%arg6 : memref<2048xi32, #tpu.memory_space<vmem>>)
      tpu.yield
    }) : () -> ()
    %scan3A = arith.constant 0 : i32
    %scan3A_3 = arith.constant 0 : i32
    %scan3A_4 = arith.constant 512 : i32
    %scan3A_5 = arith.addi %scan3A_3, %scan3A_4 : i32
    %scan3A_6 = arith.constant 1 : i32
    scf.for %scan3A_22 = %scan3A_3 to %scan3A_5 step %scan3A_6  : i32 {
      %broadcast_in_dim3A_23 = arith.constant 0.000000e+00 : f32
      %broadcast_in_dim3A_24 = vector.broadcast %broadcast_in_dim3A_23 : f32 to vector<16xf32>
      %mul3A_25 = arith.constant 16 : i32
      %mul3A_26 = arith.muli %scan3A_22, %mul3A_25 : i32
      %swap3A = arith.index_cast %mul3A_26 : i32 to index
      %swap3A_27 = tpu.vector_load %arg9[%swap3A] {strides = array<i32>} : memref<8192xf32, #tpu.memory_space<vmem>>, vector<16xf32>,
      tpu.vector_store %arg9[%swap3A], %broadcast_in_dim3A_24 {strides = array<i32>} : memref<8192xf32, #tpu.memory_space<vmem>>, vector<16xf32>,
    }
    %scan3A_7 = arith.constant 512 : i32
    %broadcast_in_dim3A = arith.constant 1.000000e+00 : f32
    %broadcast_in_dim3A_8 = vector.broadcast %broadcast_in_dim3A : f32 to vector<16xf32>
    %scan3A_9 = arith.constant 0 : i32
    %scan3A_10 = arith.constant 0 : i32
    %scan3A_11 = arith.constant 8 : i32
    %scan3A_12 = arith.addi %scan3A_10, %scan3A_11 : i32
    %scan3A_13 = arith.constant 1 : i32
    scf.for %scan3A_22 = %scan3A_10 to %scan3A_12 step %scan3A_13  : i32 {
      %mul3A_23 = arith.constant 2 : i32
      %mul3A_24 = arith.muli %mul3A_23, %scan3A_22 : i32
      %mul3A_25 = arith.constant 2 : i32
      %mul3A_26 = arith.muli %mul3A_25, %scan3A_22 : i32
      %add3A_27 = arith.constant 1 : i32
      %add3A_28 = arith.addi %mul3A_26, %add3A_27 : i32
      %mul3A_29 = arith.constant 128 : i32
      %mul3A_30 = arith.muli %mul3A_24, %mul3A_29 : i32
      %dma_start3A = tpu.memref_slice %arg6[%mul3A_30] : memref<2048xi32, #tpu.memory_space<vmem>> -> memref<128xi32, #tpu.memory_space<vmem>>
      %dma_start3A_31 = arith.constant 0 : i32
      %dma_start3A_32 = arith.constant 0 : i32
      %dma_start3A_33 = tpu.memref_slice %arg2[%dma_start3A_31, %dma_start3A_32] : memref<8192x256xf32, #tpu.memory_space<hbm>> -> memref<8192x256xf32, #tpu.memory_space<hbm>>
      tpu.enqueue_indirect_dma source(%dma_start3A_33 : memref<8192x256xf32, #tpu.memory_space<hbm>>) target(%arg7 : memref<128x256xf32, #tpu.memory_space<vmem>>) offsets(%dma_start3A : memref<128xi32, #tpu.memory_space<vmem>>) semaphore(%arg10 : memref<!tpu.dma_semaphore, #tpu.memory_space<semaphore_mem>>)
      %scan3A_34 = arith.constant 0 : i32
      %scan3A_35 = arith.constant 0 : i32
      %scan3A_36 = arith.constant 8 : i32
      %scan3A_37 = arith.addi %scan3A_35, %scan3A_36 : i32
      %scan3A_38 = arith.constant 1 : i32
      scf.for %scan3A_61 = %scan3A_35 to %scan3A_37 step %scan3A_38  : i32 {
        %mul3A_62 = arith.constant 128 : i32
        %mul3A_63 = arith.muli %mul3A_24, %mul3A_62 : i32
        %mul3A_64 = arith.constant 16 : i32
        %mul3A_65 = arith.muli %scan3A_61, %mul3A_64 : i32
        %add3A_66 = arith.addi %mul3A_63, %mul3A_65 : i32
        %get3A = arith.index_cast %add3A_66 : i32 to index
        %get3A_67 = tpu.vector_load %arg6[%get3A] {strides = array<i32>} : memref<2048xi32, #tpu.memory_space<vmem>>, vector<16xi32>,
        tpu.vector_store_idx %arg9[%get3A_67], %broadcast_in_dim3A_8 {add = true} : memref<8192xf32, #tpu.memory_space<vmem>>[vector<16xi32>], vector<16xf32>,
      }
      %scan3A_39 = arith.constant 8 : i32
      %gt3A = arith.constant 0 : i32
      %gt3A_40 = arith.cmpi sgt, %scan3A_22, %gt3A : i32
      %convert_element_type3A = arith.extui %gt3A_40 : i1 to i32
      %cond3A = arith.constant 0 : i32
      %cond3A_41 = arith.cmpi ne, %convert_element_type3A, %cond3A : i32
      scf.if %cond3A_41 {
        %mul3A_61 = arith.constant 128 : i32
        %mul3A_62 = arith.muli %add3A_28, %mul3A_61 : i32
        %sub3A_63 = arith.constant 256 : i32
        %sub3A_64 = arith.subi %mul3A_62, %sub3A_63 : i32
        %dma_wait3A_65 = tpu.memref_slice %arg6[%sub3A_64] : memref<2048xi32, #tpu.memory_space<vmem>> -> memref<128xi32, #tpu.memory_space<vmem>>
        %dma_wait3A_66 = arith.constant 0 : i32
        %dma_wait3A_67 = arith.constant 0 : i32
        %dma_wait3A_68 = tpu.memref_slice %arg2[%dma_wait3A_66, %dma_wait3A_67] : memref<8192x256xf32, #tpu.memory_space<hbm>> -> memref<8192x256xf32, #tpu.memory_space<hbm>>
        tpu.wait_indirect_dma semaphore(%arg11 : memref<!tpu.dma_semaphore, #tpu.memory_space<semaphore_mem>>) src(%dma_wait3A_68 : memref<8192x256xf32, #tpu.memory_space<hbm>>) dst(%arg8 : memref<128x256xf32, #tpu.memory_space<vmem>>)
        %sub3A_69 = arith.constant 2 : i32
        %sub3A_70 = arith.subi %add3A_28, %sub3A_69 : i32
        %mul3A_71 = arith.constant 128 : i32
        %mul3A_72 = arith.muli %sub3A_70, %mul3A_71 : i32
        %add3A_73 = arith.addi %mul3A_2, %mul3A_72 : i32
        "tpu.region"() ({
          %run_scoped3A = tpu.sem_alloc : memref<!tpu.dma_semaphore, #tpu.memory_space<semaphore_mem>>
          %dma_start3A_74 = arith.constant 0 : i32
          %dma_start3A_75 = tpu.memref_slice %arg4[%add3A_73, %dma_start3A_74] : memref<65536x256xf32, #tpu.memory_space<hbm>> -> memref<128x256xf32, #tpu.memory_space<hbm>>
          %dma_start3A_76 = arith.constant 0 : i32
          %dma_start3A_77 = tpu.memref_slice %arg4[%add3A_73, %dma_start3A_76] : memref<65536x256xf32, #tpu.memory_space<hbm>> -> memref<128x256xf32, #tpu.memory_space<hbm>>
          tpu.enqueue_dma source(%arg8 : memref<128x256xf32, #tpu.memory_space<vmem>>) target(%dma_start3A_77 : memref<128x256xf32, #tpu.memory_space<hbm>>) target_semaphore(%run_scoped3A : memref<!tpu.dma_semaphore, #tpu.memory_space<semaphore_mem>>)
          %dma_wait3A_78 = arith.constant 0 : i32
          %dma_wait3A_79 = tpu.memref_slice %arg4[%add3A_73, %dma_wait3A_78] : memref<65536x256xf32, #tpu.memory_space<hbm>> -> memref<128x256xf32, #tpu.memory_space<hbm>>
          %dma_wait3A_80 = arith.constant 0 : i32
          %dma_wait3A_81 = tpu.memref_slice %arg4[%add3A_73, %dma_wait3A_80] : memref<65536x256xf32, #tpu.memory_space<hbm>> -> memref<128x256xf32, #tpu.memory_space<hbm>>
          tpu.wait_dma2 semaphore(%run_scoped3A : memref<!tpu.dma_semaphore, #tpu.memory_space<semaphore_mem>>) src(%arg8 : memref<128x256xf32, #tpu.memory_space<vmem>>) dst(%dma_wait3A_81 : memref<128x256xf32, #tpu.memory_space<hbm>>)
          tpu.yield
        }) : () -> ()
      } else {
      }
      %mul3A_42 = arith.constant 128 : i32
      %mul3A_43 = arith.muli %add3A_28, %mul3A_42 : i32
      %dma_start3A_44 = tpu.memref_slice %arg6[%mul3A_43] : memref<2048xi32, #tpu.memory_space<vmem>> -> memref<128xi32, #tpu.memory_space<vmem>>
      %dma_start3A_45 = arith.constant 0 : i32
      %dma_start3A_46 = arith.constant 0 : i32
      %dma_start3A_47 = tpu.memref_slice %arg2[%dma_start3A_45, %dma_start3A_46] : memref<8192x256xf32, #tpu.memory_space<hbm>> -> memref<8192x256xf32, #tpu.memory_space<hbm>>
      tpu.enqueue_indirect_dma source(%dma_start3A_47 : memref<8192x256xf32, #tpu.memory_space<hbm>>) target(%arg8 : memref<128x256xf32, #tpu.memory_space<vmem>>) offsets(%dma_start3A_44 : memref<128xi32, #tpu.memory_space<vmem>>) semaphore(%arg11 : memref<!tpu.dma_semaphore, #tpu.memory_space<semaphore_mem>>)
      %scan3A_48 = arith.constant 0 : i32
      %scan3A_49 = arith.constant 0 : i32
      %scan3A_50 = arith.constant 8 : i32
      %scan3A_51 = arith.addi %scan3A_49, %scan3A_50 : i32
      %scan3A_52 = arith.constant 1 : i32
      scf.for %scan3A_61 = %scan3A_49 to %scan3A_51 step %scan3A_52  : i32 {
        %mul3A_62 = arith.constant 128 : i32
        %mul3A_63 = arith.muli %add3A_28, %mul3A_62 : i32
        %mul3A_64 = arith.constant 16 : i32
        %mul3A_65 = arith.muli %scan3A_61, %mul3A_64 : i32
        %add3A_66 = arith.addi %mul3A_63, %mul3A_65 : i32
        %get3A = arith.index_cast %add3A_66 : i32 to index
        %get3A_67 = tpu.vector_load %arg6[%get3A] {strides = array<i32>} : memref<2048xi32, #tpu.memory_space<vmem>>, vector<16xi32>,
        tpu.vector_store_idx %arg9[%get3A_67], %broadcast_in_dim3A_8 {add = true} : memref<8192xf32, #tpu.memory_space<vmem>>[vector<16xi32>], vector<16xf32>,
      }
      %scan3A_53 = arith.constant 8 : i32
      %dma_wait3A_54 = tpu.memref_slice %arg6[%mul3A_30] : memref<2048xi32, #tpu.memory_space<vmem>> -> memref<128xi32, #tpu.memory_space<vmem>>
      %dma_wait3A_55 = arith.constant 0 : i32
      %dma_wait3A_56 = arith.constant 0 : i32
      %dma_wait3A_57 = tpu.memref_slice %arg2[%dma_wait3A_55, %dma_wait3A_56] : memref<8192x256xf32, #tpu.memory_space<hbm>> -> memref<8192x256xf32, #tpu.memory_space<hbm>>
      tpu.wait_indirect_dma semaphore(%arg10 : memref<!tpu.dma_semaphore, #tpu.memory_space<semaphore_mem>>) src(%dma_wait3A_57 : memref<8192x256xf32, #tpu.memory_space<hbm>>) dst(%arg7 : memref<128x256xf32, #tpu.memory_space<vmem>>)
      %mul3A_58 = arith.constant 128 : i32
      %mul3A_59 = arith.muli %mul3A_24, %mul3A_58 : i32
      %add3A_60 = arith.addi %mul3A_2, %mul3A_59 : i32
      "tpu.region"() ({
        %run_scoped3A = tpu.sem_alloc : memref<!tpu.dma_semaphore, #tpu.memory_space<semaphore_mem>>
        %dma_start3A_61 = arith.constant 0 : i32
        %dma_start3A_62 = tpu.memref_slice %arg4[%add3A_60, %dma_start3A_61] : memref<65536x256xf32, #tpu.memory_space<hbm>> -> memref<128x256xf32, #tpu.memory_space<hbm>>
        %dma_start3A_63 = arith.constant 0 : i32
        %dma_start3A_64 = tpu.memref_slice %arg4[%add3A_60, %dma_start3A_63] : memref<65536x256xf32, #tpu.memory_space<hbm>> -> memref<128x256xf32, #tpu.memory_space<hbm>>
        tpu.enqueue_dma source(%arg7 : memref<128x256xf32, #tpu.memory_space<vmem>>) target(%dma_start3A_64 : memref<128x256xf32, #tpu.memory_space<hbm>>) target_semaphore(%run_scoped3A : memref<!tpu.dma_semaphore, #tpu.memory_space<semaphore_mem>>)
        %dma_wait3A_65 = arith.constant 0 : i32
        %dma_wait3A_66 = tpu.memref_slice %arg4[%add3A_60, %dma_wait3A_65] : memref<65536x256xf32, #tpu.memory_space<hbm>> -> memref<128x256xf32, #tpu.memory_space<hbm>>
        %dma_wait3A_67 = arith.constant 0 : i32
        %dma_wait3A_68 = tpu.memref_slice %arg4[%add3A_60, %dma_wait3A_67] : memref<65536x256xf32, #tpu.memory_space<hbm>> -> memref<128x256xf32, #tpu.memory_space<hbm>>
        tpu.wait_dma2 semaphore(%run_scoped3A : memref<!tpu.dma_semaphore, #tpu.memory_space<semaphore_mem>>) src(%arg7 : memref<128x256xf32, #tpu.memory_space<vmem>>) dst(%dma_wait3A_68 : memref<128x256xf32, #tpu.memory_space<hbm>>)
        tpu.yield
      }) : () -> ()
    }
    %scan3A_14 = arith.constant 8 : i32
    %dma_wait3A = arith.constant 1920 : i32
    %dma_wait3A_15 = tpu.memref_slice %arg6[%dma_wait3A] : memref<2048xi32, #tpu.memory_space<vmem>> -> memref<128xi32, #tpu.memory_space<vmem>>
    %dma_wait3A_16 = arith.constant 0 : i32
    %dma_wait3A_17 = arith.constant 0 : i32
    %dma_wait3A_18 = tpu.memref_slice %arg2[%dma_wait3A_16, %dma_wait3A_17] : memref<8192x256xf32, #tpu.memory_space<hbm>> -> memref<8192x256xf32, #tpu.memory_space<hbm>>
    tpu.wait_indirect_dma semaphore(%arg11 : memref<!tpu.dma_semaphore, #tpu.memory_space<semaphore_mem>>) src(%dma_wait3A_18 : memref<8192x256xf32, #tpu.memory_space<hbm>>) dst(%arg8 : memref<128x256xf32, #tpu.memory_space<vmem>>)
    %add3A_19 = arith.constant 2048 : i32
    %add3A_20 = arith.addi %mul3A_2, %add3A_19 : i32
    %sub3A = arith.constant 128 : i32
    %sub3A_21 = arith.subi %add3A_20, %sub3A : i32
    "tpu.region"() ({
      %run_scoped3A = tpu.sem_alloc : memref<!tpu.dma_semaphore, #tpu.memory_space<semaphore_mem>>
      %dma_start3A = arith.constant 0 : i32
      %dma_start3A_22 = tpu.memref_slice %arg4[%sub3A_21, %dma_start3A] : memref<65536x256xf32, #tpu.memory_space<hbm>> -> memref<128x256xf32, #tpu.memory_space<hbm>>
      %dma_start3A_23 = arith.constant 0 : i32
      %dma_start3A_24 = tpu.memref_slice %arg4[%sub3A_21, %dma_start3A_23] : memref<65536x256xf32, #tpu.memory_space<hbm>> -> memref<128x256xf32, #tpu.memory_space<hbm>>
      tpu.enqueue_dma source(%arg8 : memref<128x256xf32, #tpu.memory_space<vmem>>) target(%dma_start3A_24 : memref<128x256xf32, #tpu.memory_space<hbm>>) target_semaphore(%run_scoped3A : memref<!tpu.dma_semaphore, #tpu.memory_space<semaphore_mem>>)
      %dma_wait3A_25 = arith.constant 0 : i32
      %dma_wait3A_26 = tpu.memref_slice %arg4[%sub3A_21, %dma_wait3A_25] : memref<65536x256xf32, #tpu.memory_space<hbm>> -> memref<128x256xf32, #tpu.memory_space<hbm>>
      %dma_wait3A_27 = arith.constant 0 : i32
      %dma_wait3A_28 = tpu.memref_slice %arg4[%sub3A_21, %dma_wait3A_27] : memref<65536x256xf32, #tpu.memory_space<hbm>> -> memref<128x256xf32, #tpu.memory_space<hbm>>
      tpu.wait_dma2 semaphore(%run_scoped3A : memref<!tpu.dma_semaphore, #tpu.memory_space<semaphore_mem>>) src(%arg8 : memref<128x256xf32, #tpu.memory_space<vmem>>) dst(%dma_wait3A_28 : memref<128x256xf32, #tpu.memory_space<hbm>>)
      tpu.yield
    }) : () -> ()
    "tpu.region"() ({
      %run_scoped3A = tpu.sem_alloc : memref<!tpu.dma_semaphore, #tpu.memory_space<semaphore_mem>>
      %dma_start3A = arith.constant 0 : i32
      %dma_start3A_22 = tpu.memref_slice %arg5[%add3A, %dma_start3A] : memref<32x8192xf32, #tpu.memory_space<hbm>> -> memref<1x8192xf32, #tpu.memory_space<hbm>>
      %dma_start3A_23 = tpu.memref_squeeze %dma_start3A_22 : memref<1x8192xf32, #tpu.memory_space<hbm>> -> memref<8192xf32, #tpu.memory_space<hbm>>
      %dma_start3A_24 = arith.constant 0 : i32
      %dma_start3A_25 = tpu.memref_slice %arg5[%add3A, %dma_start3A_24] : memref<32x8192xf32, #tpu.memory_space<hbm>> -> memref<1x8192xf32, #tpu.memory_space<hbm>>
      %dma_start3A_26 = tpu.memref_squeeze %dma_start3A_25 : memref<1x8192xf32, #tpu.memory_space<hbm>> -> memref<8192xf32, #tpu.memory_space<hbm>>
      tpu.enqueue_dma source(%arg9 : memref<8192xf32, #tpu.memory_space<vmem>>) target(%dma_start3A_26 : memref<8192xf32, #tpu.memory_space<hbm>>) target_semaphore(%run_scoped3A : memref<!tpu.dma_semaphore, #tpu.memory_space<semaphore_mem>>)
      %dma_wait3A_27 = arith.constant 0 : i32
      %dma_wait3A_28 = tpu.memref_slice %arg5[%add3A, %dma_wait3A_27] : memref<32x8192xf32, #tpu.memory_space<hbm>> -> memref<1x8192xf32, #tpu.memory_space<hbm>>
      %dma_wait3A_29 = tpu.memref_squeeze %dma_wait3A_28 : memref<1x8192xf32, #tpu.memory_space<hbm>> -> memref<8192xf32, #tpu.memory_space<hbm>>
      %dma_wait3A_30 = arith.constant 0 : i32
      %dma_wait3A_31 = tpu.memref_slice %arg5[%add3A, %dma_wait3A_30] : memref<32x8192xf32, #tpu.memory_space<hbm>> -> memref<1x8192xf32, #tpu.memory_space<hbm>>
      %dma_wait3A_32 = tpu.memref_squeeze %dma_wait3A_31 : memref<1x8192xf32, #tpu.memory_space<hbm>> -> memref<8192xf32, #tpu.memory_space<hbm>>
      tpu.wait_dma2 semaphore(%run_scoped3A : memref<!tpu.dma_semaphore, #tpu.memory_space<semaphore_mem>>) src(%arg9 : memref<8192xf32, #tpu.memory_space<vmem>>) dst(%dma_wait3A_32 : memref<8192xf32, #tpu.memory_space<hbm>>)
      tpu.yield
    }) : () -> ()
    return
  }
}

module attributes {stable_mosaic.version = 14 : i64} {
  func.func @_dist_argmax_body(%arg0: i32, %arg1: i32, %arg2: memref<512x256xf32, #tpu.memory_space<vmem>>, %arg3: memref<2048x256xf32, #tpu.memory_space<vmem>>, %arg4: memref<1x512xf32, #tpu.memory_space<vmem>>, %arg5: memref<2048x1xf32, #tpu.memory_space<vmem>>, %arg6: memref<1x1x512xi32, #tpu.memory_space<vmem>>, %arg7: memref<1x512xf32, #tpu.memory_space<vmem>>, %arg8: memref<1x512xi32, #tpu.memory_space<vmem>>) attributes {dimension_semantics = [#tpu.dimension_semantics<parallel>, #tpu.dimension_semantics<arbitrary>], iteration_bounds = array<i64: 128, 4>, scalar_prefetch = 0 : i64, scratch_operands = 2 : i64, tpu.core_type = #tpu.core_type<tc>, window_params = [{transform_indices = @transform_0, window_bounds = array<i64: 512, 256>}, {transform_indices = @transform_1, window_bounds = array<i64: 2048, 256>}, {transform_indices = @transform_2, window_bounds = array<i64: 1, 512>}, {transform_indices = @transform_3, window_bounds = array<i64: 2048, 1>}, {transform_indices = @transform_4, window_bounds = array<i64: 1, 1, 512>}]} {
    %get3A = arith.constant 0 : index
    %get3A_0 = arith.constant 0 : index
    %get3A_1 = vector.load %arg2[%get3A, %get3A_0] : memref<512x256xf32, #tpu.memory_space<vmem>>, vector<512x256xf32>
    %get3A_2 = arith.constant 0 : index
    %get3A_3 = arith.constant 0 : index
    %get3A_4 = vector.load %arg3[%get3A_2, %get3A_3] : memref<2048x256xf32, #tpu.memory_space<vmem>>, vector<2048x256xf32>
    %convert_element_type3A = arith.truncf %get3A_4 : vector<2048x256xf32> to vector<2048x256xbf16>
    %convert_element_type3A_5 = arith.truncf %get3A_1 : vector<512x256xf32> to vector<512x256xbf16>
    %dot_general3A = arith.constant dense<0.000000e+00> : vector<2048x512xf32>
    %dot_general3A_6 = tpu.matmul %convert_element_type3A, %convert_element_type3A_5, %dot_general3A {dimension_numbers = #tpu.dot_dimension_numbers<[1], [1], [0], [0], [0, 0, 1, 0], [], []>, transpose_lhs_hint = false} : vector<2048x256xbf16>, vector<512x256xbf16>, vector<2048x512xf32> -> vector<2048x512xf32>
    %get3A_7 = arith.constant 0 : index
    %get3A_8 = arith.constant 0 : index
    %get3A_9 = vector.load %arg4[%get3A_7, %get3A_8] : memref<1x512xf32, #tpu.memory_space<vmem>>, vector<1x512xf32>
    %get3A_10 = arith.constant 0 : index
    %get3A_11 = arith.constant 0 : index
    %get3A_12 = vector.load %arg5[%get3A_10, %get3A_11] : memref<2048x1xf32, #tpu.memory_space<vmem>>, vector<2048x1xf32>
    %mul3A = arith.constant 2.000000e+00 : f32
    %mul3A_13 = vector.broadcast %mul3A : f32 to vector<2048x512xf32>
    %mul3A_14 = arith.mulf %mul3A_13, %dot_general3A_6 : vector<2048x512xf32>
    %sub3A = vector.broadcast %get3A_9 : vector<1x512xf32> to vector<2048x512xf32>
    %sub3A_15 = arith.subf %sub3A, %mul3A_14 : vector<2048x512xf32>
    %add3A = vector.broadcast %get3A_12 : vector<2048x1xf32> to vector<2048x512xf32>
    %add3A_16 = arith.addf %sub3A_15, %add3A : vector<2048x512xf32>
    %neg3A = arith.constant 0.000000e+00 : f32
    %neg3A_17 = vector.broadcast %neg3A : f32 to vector<2048x512xf32>
    %neg3A_18 = arith.subf %neg3A_17, %add3A_16 : vector<2048x512xf32>
    %reduce_max3A = arith.constant dense<0xFF800000> : vector<512xf32>
    %reduce_max3A_19 = vector.multi_reduction <maximumf>, %neg3A_18, %reduce_max3A [0] : vector<2048x512xf32> to vector<512xf32>
    %broadcast_in_dim3A = vector.shape_cast %reduce_max3A_19 : vector<512xf32> to vector<1x512xf32>
    %iota3A = tpu.iota {dimensions = array<i32: 0>} : vector<2048x512xi32>
    %eq3A = vector.broadcast %broadcast_in_dim3A : vector<1x512xf32> to vector<2048x512xf32>
    %eq3A_20 = arith.cmpf oeq, %neg3A_18, %eq3A : vector<2048x512xf32>
    %jit3A = arith.constant 1073741824 : i32
    %broadcast_in_dim3A_21 = vector.broadcast %jit3A : i32 to vector<2048x512xi32>
    %select_n3A = arith.select %eq3A_20, %iota3A, %broadcast_in_dim3A_21 : vector<2048x512xi1>, vector<2048x512xi32>
    %reduce_min3A = arith.constant dense<2147483647> : vector<512xi32>
    %reduce_min3A_22 = vector.multi_reduction <minsi>, %select_n3A, %reduce_min3A [0] : vector<2048x512xi32> to vector<512xi32>
    %broadcast_in_dim3A_23 = vector.shape_cast %reduce_min3A_22 : vector<512xi32> to vector<1x512xi32>
    %mul3A_24 = arith.constant 2048 : i32
    %mul3A_25 = arith.muli %arg1, %mul3A_24 : i32
    %add3A_26 = vector.broadcast %mul3A_25 : i32 to vector<1x512xi32>
    %add3A_27 = arith.addi %broadcast_in_dim3A_23, %add3A_26 : vector<1x512xi32>
    %convert_element_type3A_28 = arith.truncf %broadcast_in_dim3A : vector<1x512xf32> to vector<1x512xbf16>
    %convert_element_type3A_29 = arith.extf %convert_element_type3A_28 : vector<1x512xbf16> to vector<1x512xf32>
    %eq3A_30 = arith.constant 0 : i32
    %eq3A_31 = arith.cmpi eq, %arg1, %eq3A_30 : i32
    %convert_element_type3A_32 = arith.extui %eq3A_31 : i1 to i32
    %cond3A = arith.constant 0 : i32
    %cond3A_33 = arith.cmpi ne, %convert_element_type3A_32, %cond3A : i32
    scf.if %cond3A_33 {
      %swap3A = arith.constant 0 : index
      %swap3A_43 = arith.constant 0 : index
      %swap3A_44 = vector.load %arg7[%swap3A, %swap3A_43] : memref<1x512xf32, #tpu.memory_space<vmem>>, vector<1x512xf32>
      tpu.vector_store %arg7[%swap3A, %swap3A_43], %convert_element_type3A_29 {strides = array<i32>} : memref<1x512xf32, #tpu.memory_space<vmem>>, vector<1x512xf32>,
      %swap3A_45 = arith.constant 0 : index
      %swap3A_46 = arith.constant 0 : index
      %swap3A_47 = vector.load %arg8[%swap3A_45, %swap3A_46] : memref<1x512xi32, #tpu.memory_space<vmem>>, vector<1x512xi32>
      tpu.vector_store %arg8[%swap3A_45, %swap3A_46], %add3A_27 {strides = array<i32>} : memref<1x512xi32, #tpu.memory_space<vmem>>, vector<1x512xi32>,
    } else {
    }
    %gt3A = arith.constant 0 : i32
    %gt3A_34 = arith.cmpi sgt, %arg1, %gt3A : i32
    %convert_element_type3A_35 = arith.extui %gt3A_34 : i1 to i32
    %cond3A_36 = arith.constant 0 : i32
    %cond3A_37 = arith.cmpi ne, %convert_element_type3A_35, %cond3A_36 : i32
    scf.if %cond3A_37 {
      %get3A_43 = arith.constant 0 : index
      %get3A_44 = arith.constant 0 : index
      %get3A_45 = vector.load %arg7[%get3A_43, %get3A_44] : memref<1x512xf32, #tpu.memory_space<vmem>>, vector<1x512xf32>
      %gt3A_46 = arith.cmpf ogt, %broadcast_in_dim3A, %get3A_45 : vector<1x512xf32>
      %get3A_47 = arith.constant 0 : index
      %get3A_48 = arith.constant 0 : index
      %get3A_49 = vector.load %arg7[%get3A_47, %get3A_48] : memref<1x512xf32, #tpu.memory_space<vmem>>, vector<1x512xf32>
      %select_n3A_50 = arith.select %gt3A_46, %convert_element_type3A_29, %get3A_49 : vector<1x512xi1>, vector<1x512xf32>
      %swap3A = arith.constant 0 : index
      %swap3A_51 = arith.constant 0 : index
      %swap3A_52 = vector.load %arg7[%swap3A, %swap3A_51] : memref<1x512xf32, #tpu.memory_space<vmem>>, vector<1x512xf32>
      tpu.vector_store %arg7[%swap3A, %swap3A_51], %select_n3A_50 {strides = array<i32>} : memref<1x512xf32, #tpu.memory_space<vmem>>, vector<1x512xf32>,
      %get3A_53 = arith.constant 0 : index
      %get3A_54 = arith.constant 0 : index
      %get3A_55 = vector.load %arg8[%get3A_53, %get3A_54] : memref<1x512xi32, #tpu.memory_space<vmem>>, vector<1x512xi32>
      %select_n3A_56 = arith.select %gt3A_46, %add3A_27, %get3A_55 : vector<1x512xi1>, vector<1x512xi32>
      %swap3A_57 = arith.constant 0 : index
      %swap3A_58 = arith.constant 0 : index
      %swap3A_59 = vector.load %arg8[%swap3A_57, %swap3A_58] : memref<1x512xi32, #tpu.memory_space<vmem>>, vector<1x512xi32>
      tpu.vector_store %arg8[%swap3A_57, %swap3A_58], %select_n3A_56 {strides = array<i32>} : memref<1x512xi32, #tpu.memory_space<vmem>>, vector<1x512xi32>,
    } else {
    }
    %eq3A_38 = arith.constant 3 : i32
    %eq3A_39 = arith.cmpi eq, %arg1, %eq3A_38 : i32
    %convert_element_type3A_40 = arith.extui %eq3A_39 : i1 to i32
    %cond3A_41 = arith.constant 0 : i32
    %cond3A_42 = arith.cmpi ne, %convert_element_type3A_40, %cond3A_41 : i32
    scf.if %cond3A_42 {
      %get3A_43 = arith.constant 0 : index
      %get3A_44 = arith.constant 0 : index
      %get3A_45 = vector.load %arg8[%get3A_43, %get3A_44] : memref<1x512xi32, #tpu.memory_space<vmem>>, vector<1x512xi32>
      %swap3A = arith.constant 0 : index
      %swap3A_46 = arith.constant 0 : index
      %swap3A_47 = arith.constant 0 : index
      %swap3A_48 = vector.load %arg6[%swap3A, %swap3A_46, %swap3A_47] : memref<1x1x512xi32, #tpu.memory_space<vmem>>, vector<1x1x512xi32>
      %swap3A_49 = vector.shape_cast %swap3A_48 : vector<1x1x512xi32> to vector<1x512xi32>
      %swap3A_50 = vector.shape_cast %get3A_45 : vector<1x512xi32> to vector<1x1x512xi32>
      tpu.vector_store %arg6[%swap3A, %swap3A_46, %swap3A_47], %swap3A_50 {strides = array<i32>} : memref<1x1x512xi32, #tpu.memory_space<vmem>>, vector<1x1x512xi32>,
    } else {
    }
    return
  }
  func.func @transform_0(%arg0: i32, %arg1: i32) -> (i32, i32) {
    %c0_i32 = arith.constant 0 : i32
    %c0_i32_0 = arith.constant 0 : i32
    return %arg0, %c0_i32 : i32, i32
  }
  func.func @transform_1(%arg0: i32, %arg1: i32) -> (i32, i32) {
    %c0_i32 = arith.constant 0 : i32
    %c0_i32_0 = arith.constant 0 : i32
    return %arg1, %c0_i32 : i32, i32
  }
  func.func @transform_2(%arg0: i32, %arg1: i32) -> (i32, i32) {
    %c0_i32 = arith.constant 0 : i32
    %c0_i32_0 = arith.constant 0 : i32
    return %c0_i32, %arg0 : i32, i32
  }
  func.func @transform_3(%arg0: i32, %arg1: i32) -> (i32, i32) {
    %c0_i32 = arith.constant 0 : i32
    %c0_i32_0 = arith.constant 0 : i32
    return %arg1, %c0_i32 : i32, i32
  }
  func.func @transform_4(%arg0: i32, %arg1: i32) -> (i32, i32, i32) {
    %c0_i32 = arith.constant 0 : i32
    %c0_i32_0 = arith.constant 0 : i32
    %c0_i32_1 = arith.constant 0 : i32
    return %arg0, %c0_i32, %c0_i32_0 : i32, i32, i32
  }
}

module attributes {stable_mosaic.version = 14 : i64} {
  func.func @_perp_body(%arg0: memref<32x8192xf32, #tpu.memory_space<vmem>>, %arg1: memref<1x1xf32, #tpu.memory_space<smem>>) attributes {dimension_semantics = [], scalar_prefetch = 0 : i64, scratch_operands = 0 : i64, tpu.core_type = #tpu.core_type<tc>} {
    %get3A = arith.constant 0 : index
    %get3A_0 = arith.constant 0 : index
    %get3A_1 = vector.load %arg0[%get3A, %get3A_0] : memref<32x8192xf32, #tpu.memory_space<vmem>>, vector<32x8192xf32>
    %reduce_sum3A = arith.constant dense<0.000000e+00> : vector<8192xf32>
    %reduce_sum3A_2 = vector.multi_reduction <add>, %get3A_1, %reduce_sum3A [0] : vector<32x8192xf32> to vector<8192xf32>
    %broadcast_in_dim3A = vector.shape_cast %reduce_sum3A_2 : vector<8192xf32> to vector<1x8192xf32>
    %mul3A = arith.constant 1.52587891E-5 : f32
    %mul3A_3 = vector.broadcast %mul3A : f32 to vector<1x8192xf32>
    %mul3A_4 = arith.mulf %broadcast_in_dim3A, %mul3A_3 : vector<1x8192xf32>
    %add3A = arith.constant 1.000000e-10 : f32
    %add3A_5 = vector.broadcast %add3A : f32 to vector<1x8192xf32>
    %add3A_6 = arith.addf %mul3A_4, %add3A_5 : vector<1x8192xf32>
    %log3A = math.log %add3A_6 : vector<1x8192xf32>
    %mul3A_7 = arith.mulf %mul3A_4, %log3A : vector<1x8192xf32>
    %reduce_sum3A_8 = vector.shape_cast %mul3A_7 : vector<1x8192xf32> to vector<1x1x8192xf32>
    %reduce_sum3A_9 = arith.constant dense<0.000000e+00> : vector<1xf32>
    %reduce_sum3A_10 = vector.multi_reduction <add>, %reduce_sum3A_8, %reduce_sum3A_9 [1, 2] : vector<1x1x8192xf32> to vector<1xf32>
    %reduce_sum3A_11 = vector.shape_cast %reduce_sum3A_10 : vector<1xf32> to vector<1x1x1xf32>
    %reduce_sum3A_12 = vector.extract %reduce_sum3A_11[0, 0, 0] : f32 from vector<1x1x1xf32>
    %neg3A = arith.constant 0.000000e+00 : f32
    %neg3A_13 = arith.subf %neg3A, %reduce_sum3A_12 : f32
    %exp3A = math.exp %neg3A_13 : f32
    %swap3A = arith.constant 0 : index
    %swap3A_14 = arith.constant 0 : index
    %swap3A_15 = memref.load %arg1[%swap3A, %swap3A_14] : memref<1x1xf32, #tpu.memory_space<smem>>
    memref.store %exp3A, %arg1[%swap3A, %swap3A_14] : memref<1x1xf32, #tpu.memory_space<smem>>
    return
  }
}

</mosaic_0001>

<sc_bundles>
// kernel: kernel.5.cloned.1.call-start
scs
__scs_entry_jumppad:
0x0: {  	(pc) =	sbr.rel $0x88, $3  }
0x1: {  	(tag) =	ssettag $0x0;
	lr =	simm.s32 $0x1  }
0x2: {  	[smem:$0x3F9F] =	sst lr;
	_ =	strace $0xD0000000  }
0x3: {  	_ = 	snop  }
0x4: {  	_ = 	snop  }
0x5: {  	_ = 	snop  }
0x6: {  	_ = 	snop  }
0x7: {  	_ = 	snop  }
__scs_overlays_trampoline_lowered:
0x8: {  	[smem:$0x3FAE] =	sst s0  }
0x9: {  	[smem:$0x3FAF] =	sst s1  }
0xa: {  	[smem:$0x3FB0] =	sst s2  }
0xb: {  	[smem:$0x3FB1] =	sst s3  }
0xc: {  	[smem:$0x3FB2] =	sst s4  }
0xd: {  	[smem:$0x3FB3] =	sst s5  }
0xe: {  	[smem:$0x3FB4] =	sst s6  }
0xf: {  	[smem:$0x3FB5] =	sst s7  }
0x10: {  	[smem:$0x3FB6] =	sst s8  }
0x11: {  	[smem:$0x3FB7] =	sst s9;
	s0 =	simm.s32 @!p0 $0x0  }
0x12: {  	s1 =	sld [smem:$0x3F9D];
	s0 =	simm.s32 @p0 $0x1  }
0x13: {  	[smem:$0x3FB8] =	sst s0;
	s0 =	simm.s32 @!p1 $0x0  }
0x14: {  	s2 =	sld [smem:$0x3F9C];
	s0 =	simm.s32 @p1 $0x1  }
0x15: {  	[smem:$0x3FB9] =	sst s0;
	s0 =	simm.s32 @!p2 $0x0  }
0x16: {  	s3 =	sld [smem:$0x3FDB];
	s0 =	simm.s32 @p2 $0x1  }
0x17: {  	s4 =	simm.s32 $0x1BF5;
	[smem:$0x3FBB] =	sst s0  }
0x18: {  	s0 =	sld [smem:$0x3F9E];
	_ =	swait.ge [sflag:s4], $0x0  }
0x19: {  	s7 =	sld [smem:$0x3F9F]  }
0x1a: {  	s8 =	sadd.s32 $0xFFFFE003, lr  }
0x1b: {  	s9 =	sadd.s32 $0xFFFFFEF7, lr;
	s5 =	simm.s32 $0xFFFFFFFF;
	p2 =	slt.u32 s8, $0xFFFFF086  }
0x1c: {  	p1 =	slt.u32 s9, $0xF7A;
	s5 =	simm.s32 @!p2 $0x0  }
0x1d: {  	s5 =	simm.s32 @p1 $0x1;
	p0 =	seq.s32 s7, s2  }
0x1e: {  	s7 =	smul.u32 @!p0 $0xF7A, s2;
	p2 =	seq.s32 @!p0 s5, $0x0  }
0x1f: {  	s9 =	smul.u32 $0xF7A, s1;
	s8 =	simm.s32 @!p0 $0x1BF5;
	p2 =	por !p2, p0  }
0x20: {  	[sflag:s8] =	ssyncset.s32 @!p0 $0xFFFFF086;
	s6 =	sadd.s32 @!p0 s3, s7;
	s7 =	simm.s32 @!p0 $0x108  }
0x21: {  	s3 =	sadd.s32 s3, s9;
	s6 =	sadd.s32 @!p0 $0x88, s6;
	s7 =	simm.s32 @p2 $0x1082  }
0x22: {  	[simem:s7], [sflag:s8] =	dma.local @!p0 [hbm:s6], $0xF7A  }
0x23: {  	s9 =	sor.u32 $0xD0000000, s2;
	s6 =	simm.s32 $0x108;
	_ =	swait.ge @!p0 [sflag:s8], $0x0  }
0x24: {  	s3 =	sadd.s32 $0x88, s3;
	s6 =	simm.s32 @!p1 $0x1082;
	[sflag:s4] =	ssyncset.s32 $0xFFFFF086  }
0x25: {  	[simem:s6], [sflag:s4] =	dma.local [hbm:s3], $0xF7A  }
0x26: {  	[smem:$0x3F9F] =	sst s1;
	(tag) =	ssettag s2;
	_ =	strace s9  }
0x27: {  	s1 =	sld [smem:$0x3FAF]  }
0x28: {  	s2 =	sld [smem:$0x3FB0]  }
0x29: {  	s4 =	sld [smem:$0x3FB2]  }
0x2a: {  	p0 =	seq.s32 s5, $0x0;
	s5 =	sld [smem:$0x3FB3]  }
0x2b: {  	s6 =	sld [smem:$0x3FB4]  }
0x2c: {  	s7 =	sld [smem:$0x3FB5]  }
0x2d: {  	s3 =	simm.s32 $0x108;
	s8 =	sld [smem:$0x3FB6]  }
0x2e: {  	s3 =	simm.s32 @!p0 $0x1082;
	s9 =	sld [smem:$0x3FB7]  }
0x2f: {  	lr =	sadd.s32 s0, s3;
	s0 =	sld [smem:$0x3FAE]  }
0x30: {  	s3 =	sld [smem:$0x3FB1]  }
0x31: {  	[smem:$0x3FBA] =	sst s10  }
0x32: {  	s10 =	sld [smem:$0x3FB8];
	_ =	sdelay $0x3  }
0x33: {  	p0 =	seq.s32 s10, $0x1;
	s10 =	sld [smem:$0x3FBA];
	_ =	sdelay $0x3  }
0x34: {  	[smem:$0x3FBA] =	sst s10  }
0x35: {  	s10 =	sld [smem:$0x3FB9];
	_ =	sdelay $0x3  }
0x36: {  	p1 =	seq.s32 s10, $0x1;
	s10 =	sld [smem:$0x3FBA];
	_ =	sdelay $0x3  }
0x37: {  	[smem:$0x3FBA] =	sst s10  }
0x38: {  	s10 =	sld [smem:$0x3FBB]  }
0x39: {  	_ = 	snop;
	(pc) =	sbr.ind lr, $3  }
0x3a: {  	_ = 	snop  }
0x3b: {  	_ = 	snop  }
0x3c: {  	p2 =	seq.s32 s10, $0x1;
	s10 =	sld [smem:$0x3FBA]  }
0x3d: {  	_ =	shalt  }
0x3e: {  	_ =	shalt  }
0x3f: {  	_ =	shalt  }
0x40: {  	_ =	shalt  }
0x41: {  	_ =	shalt  }
0x42: {  	_ =	shalt  }
0x43: {  	_ =	shalt  }
0x44: {  	_ =	shalt  }
0x45: {  	_ =	shalt  }
0x46: {  	_ =	shalt  }
0x47: {  	_ =	shalt  }
0x48: {  	_ =	shalt  }
0x49: {  	_ =	shalt  }
0x4a: {  	_ =	shalt  }
0x4b: {  	_ =	shalt  }
0x4c: {  	_ =	shalt  }
0x4d: {  	_ =	shalt  }
0x4e: {  	_ =	shalt  }
0x4f: {  	_ =	shalt  }
0x50: {  	_ =	shalt  }
0x51: {  	_ =	shalt  }
0x52: {  	_ =	shalt  }
0x53: {  	_ =	shalt  }
0x54: {  	_ =	shalt  }
0x55: {  	_ =	shalt  }
0x56: {  	_ =	shalt  }
0x57: {  	_ =	shalt  }
0x58: {  	_ =	shalt  }
0x59: {  	_ =	shalt  }
0x5a: {  	_ =	shalt  }
0x5b: {  	_ =	shalt  }
0x5c: {  	_ =	shalt  }
0x5d: {  	_ =	shalt  }
0x5e: {  	_ =	shalt  }
0x5f: {  	_ =	shalt  }
0x60: {  	_ =	shalt  }
0x61: {  	_ =	shalt  }
0x62: {  	_ =	shalt  }
0x63: {  	_ =	shalt  }
0x64: {  	_ =	shalt  }
0x65: {  	_ =	shalt  }
0x66: {  	_ =	shalt  }
0x67: {  	_ =	shalt  }
0x68: {  	_ =	shalt  }
0x69: {  	_ =	shalt  }
0x6a: {  	_ =	shalt  }
0x6b: {  	_ =	shalt  }
0x6c: {  	_ =	shalt  }
0x6d: {  	_ =	shalt  }
0x6e: {  	_ =	shalt  }
0x6f: {  	_ =	shalt  }
0x70: {  	_ =	shalt  }
0x71: {  	_ =	shalt  }
0x72: {  	_ =	shalt  }
0x73: {  	_ =	shalt  }
0x74: {  	_ =	shalt  }
0x75: {  	_ =	shalt  }
0x76: {  	_ =	shalt  }
0x77: {  	_ =	shalt  }
0x78: {  	_ =	shalt  }
0x79: {  	_ =	shalt  }
0x7a: {  	_ =	shalt  }
0x7b: {  	_ =	shalt  }
0x7c: {  	_ =	shalt  }
0x7d: {  	_ =	shalt  }
0x7e: {  	_ =	shalt  }
0x7f: {  	_ =	shalt  }
0x80: {  	_ =	shalt  }
0x81: {  	_ =	shalt  }
0x82: {  	_ =	shalt  }
0x83: {  	_ =	shalt  }
0x84: {  	_ =	shalt  }
0x85: {  	_ =	shalt  }
0x86: {  	_ =	shalt  }
0x87: {  	_ =	shalt  }
.Lfunc_end0:
.L_simem_size_0:
called_computation_lowered:
.L_overlay_start_0:
0x88: {  	s2 =	sld [smem:$0x3FD9]  }
0x89: {  	s3 =	sld [smem:$0x3FFE];
	_ =	sdelay $0x1  }
0x8a: {  	s1 =	srdreg.scid  }
0x8b: {  	s0 =	sand.u32 $0x1, s1  }
0x8c: {  	s14 =	sshll.u32 s0, $0xA;
	s2 =	sadd.s32 s3, s2  }
0x8d: {  	s2 =	sadd.s32 s2, s14  }
0x8e: {  	[smem:$0x3FC6] =	sst s2  }
0x8f: {  	_ = 	snop  }
0x90: {  	s2 =	sld [smem:$0x3FD0];
	_ =	sdelay $0x2  }
0x91: {  	s4 =	simm.s32 $0xA;
	s5 =	simm.s32 $0x10;
	s15 =	sld [smem:$0x3FC8]  }
0x92: {  	[smem:s5], [sflag:s4] =	dma.local [hbm:s2], $0x1  }
0x93: {  	_ =	swait.eq [sflag:s4], $0x1  }
0x94: {  	[sflag:s4] =	ssyncset.done $0x0  }
0x95: {  	[sflag:s4] =	ssyncadd.s32 $0xFFFFFFFF  }
0x96: {  	s16 =	sld [smem:$0x10];
	(tm) =	ssettm $0x1  }
0x97: {  	s17 =	sld [smem:$0x3FFB];
	_ =	sdelay $0x3  }
0x98: {  	_ =	strace s17  }
0x99: {  	s4 =	sld [smem:$0x3FFC];
	_ =	sdelay $0x3  }
0x9a: {  	_ =	strace s4  }
0x9b: {  	s4 =	sld [smem:$0x3FFD];
	_ =	sdelay $0x3  }
0x9c: {  	_ =	strace s4  }
0x9d: {  	_ =	strace $0x8FFFFFFF  }
0x9e: {  	s18 =	sld [smem:$0x3FDB];
	_ =	sdelay $0x1  }
0x9f: {  	s19 =	simm.s32 $_scs_section_size  }
0xa0: {  	s6 =	simm.s32 $_size__tile_overlayer_lowered;
	s7 =	simm.s32 $_tile_overlayer_lowered  }
0xa1: {  	s22 =	simm.s32 $0x1BFF;
	s21 =	sshll.u32 s7, $0x1;
	s4 =	sadd.s32 s19, s18  }
0xa2: {  	s8 =	simm.s32 $0x0;
	s20 =	sshll.u32 s6, $0x1;
	s6 =	sadd.s32 s21, s4  }
0xa3: {  	[timem:s8], [sflag:s22] =	dma.local [hbm:s6], s20  }
0xa4: {  	_ =	swait.ge [sflag:s22], s20  }
0xa5: {  	s5 =	ssub.s32 $0x0, s20;
	[sflag:s22] =	ssyncset.done $0x0  }
0xa6: {  	[sflag:s22] =	ssyncadd.s32 s5;
	_ =	sdelay $0x1  }
0xa7: {  	s23 =	simm.s32 $0x1B8B  }
0xa8: {  	_ =	swait.ge [sflag:s23], $0x1  }
0xa9: {  	[sflag:s23] =	ssyncset.done $0x0  }
0xaa: {  	s25 =	simm.s32 $0x1B8E;
	s24 =	sld [smem:$0x3FFE];
	[sflag:s23] =	ssyncadd.s32 $0xFFFFFFFF  }
0xab: {  	s26 =	simm.s32 $execute0_lowered;
	[smem:$0x3FD2] =	sst s25  }
0xac: {  	s6 =	sshll.u32 s26, $0x1;
	_ =	strace $0x80000046;
	[dreg:$0x1] =	wrdreg $0xFFFFFFFF  }
0xad: {  	s28 =	simm.s32 $_size_execute0_lowered;
	s4 =	sadd.s32 s4, s6;
	[dreg:$0x0] =	wrdreg $0x0  }
0xae: {  	s6 =	sshll.u32 s28, $0x1;
	[dreg:$0x2] =	wrdreg s4  }
0xaf: {  	[dreg:$0x3] =	wrdreg s6  }
0xb0: {  	[dreg:$0x4] =	wrdreg $0xC0  }
0xb1: {  	_ =	task [dreg:s8], $0x5FFFF  }
0xb2: {  	[dreg:$0x1] =	wrdreg $0xFFFFFFFF  }
0xb3: {  	[dreg:$0x0] =	wrdreg $0x60  }
0xb4: {  	[dreg:$0x2] =	wrdreg s15  }
0xb5: {  	[dreg:$0x3] =	wrdreg s24  }
0xb6: {  	[dreg:$0x4] =	wrdreg s16  }
0xb7: {  	[dreg:$0x5] =	wrdreg $0x9  }
0xb8: {  	_ =	task.clear_ibuf [dreg:s8], $0x6FFFF;
	_ =	strace $0x90000046  }
0xb9: {  	s29 =	simm.s32 $0x9;
	_ =	strace $0x80000048  }
0xba: {  	_ =	swait.ge [sflag:s29], $0x1  }
0xbb: {  	[sflag:s29] =	ssyncadd.s32 $0xFFFFFFFF  }
0xbc: {  	_ =	strace $0x90000048  }
0xbd: {  	_ =	sfence  }
0xbe: {  	s30 =	sld [smem:$0x0];
	_ =	sdelay $0x2  }
0xbf: {  	s31 =	sshll.u32 s1, $0xD;
	s1 =	sshrl.u32 s1, $0x2  }
0xc0: {  	s3 =	sand.u32 $0x4000, s31;
	s1 =	sadd.s32 s1, s30  }
0xc1: {  	s0 =	sor.u32 s3, s0;
	s1 =	sshll.u32 s1, $0x11  }
0xc2: {  	s0 =	sor.u32 s1, s0  }
0xc3: {  	s0 =	sadd.s32 $0x8F2B, s0  }
0xc4: {  	[sflag:s0] =	ssyncadd.remote.s32 $0x1  }
0xc5: {  	_ =	sfence.sel $0xFFFF  }
0xc6: {  	[dreg:$0x0] =	wrdreg $0xFFFFFFFF;
	(pc) =	sbr.abs _section_cstart, $3  }
0xc7: {  	[dreg:$0x1] =	wrdreg $0xFFFFFFFF  }
0xc8: {  	_ =	task.clear_ibuf [dreg:s8], $0x2FFFF;
	_ =	strace $0x9FFFFFFF  }
0xc9: {  	(tm) =	ssettm $0x7FFFFFFF  }
tec
execute0_lowered:
.L_overlay_start_1:
0x0: {  	(tag) =	ssettag $0x1  }
0x1: {  	s1 =	rddreg [dreg:$0x0];
	s0 =	srdreg.scid  }
0x2: {  	s10 =	stileid.u32;
	s2 =	rddreg [dreg:$0x1]  }
0x3: {  	s8 =	rddreg [dreg:$0x2];
	s9 =	simm.s32 $0x1000;
	s26 =	simm.s32 $0x1800  }
0x4: {  	s11 =	simm.s32 $0x2800;
	s12 =	simm.s32 $0x3000;
	s14 =	simm.s32 $0x3800  }
0x5: {  	s15 =	simm.s32 $0x4000;
	s0 =	sand.u32 $0x1, s0;
	s3 =	sshll.u32 s10, $0x1  }
0x6: {  	s16 =	simm.s32 $0x4800;
	s5 =	sor.u32 s0, s3;
	s3 =	simm.s32 $0x0  }
0x7: {  	s18 =	simm.s32 $0x5000;
	s19 =	simm.s32 $0x5800;
	[smem:$0x7FF] =	sst s3  }
0x8: {  	s20 =	simm.s32 $0x6000;
	_ =	strace $0x80000047;
	[dreg:$0x4] =	wrdreg s9  }
0x9: {  	s21 =	simm.s32 $0x6800;
	s22 =	simm.s32 $0x7000;
	[dreg:$0x5] =	wrdreg s26  }
0xa: {  	s28 =	simm.s32 $0x10000;
	s29 =	simm.s32 $0x1;
	[dreg:$0x7] =	wrdreg s11  }
0xb: {  	s30 =	simm.s32 $0x2;
	s31 =	simm.s32 $0x0;
	[dreg:$0x8] =	wrdreg s12  }
0xc: {  	s4 =	sshrl.u32 s10, $0x2;
	s17 =	sshll.u32 s10, $0x11;
	[dreg:$0x9] =	wrdreg s14  }
0xd: {  	s10 =	simm.s32 $0x400;
	s7 =	sshll.u32 s4, $0xE;
	[dreg:$0xa] =	wrdreg s15  }
0xe: {  	s4 =	sshll.u32 s4, $0x10;
	s24 =	ssub.s32 $0x2, s0;
	[dreg:$0xb] =	wrdreg s16  }
0xf: {  	s0 =	sshll.u32 s0, $0x10;
	s6 =	sshll.u32 s5, $0x7;
	[dreg:$0xc] =	wrdreg s18  }
0x10: {  	s25 =	sshrl.u32 s24, $0x1;
	s5 =	sshll.u32 s5, $0x10;
	[dreg:$0xd] =	wrdreg s19  }
0x11: {  	s6 =	sand.u32 $0x380, s6;
	s9 =	simm.s32 $0x2000;
	[dreg:$0xe] =	wrdreg s20  }
0x12: {  	s5 =	sadd.s32 s5, s8;
	s8 =	sadd.s32 s17, s8;
	[dreg:$0xf] =	wrdreg s21  }
0x13: {  	[dreg:$0x10] =	wrdreg s22;
	s11 =	simm.s32 $0x3;
	s12 =	simm.s32 $0x800  }
0x14: {  	s26 =	simm.s32 $0x9800;
	s14 =	simm.s32 $0x8800;
	s15 =	simm.s32 $0xA000  }
0x15: {  	s16 =	simm.s32 $0xA800;
	s17 =	simm.s32 $0xB000;
	s18 =	simm.s32 $0xB800  }
0x16: {  	s19 =	simm.s32 $0xC000;
	s20 =	simm.s32 $0xC800;
	s21 =	simm.s32 $0xD000  }
0x17: {  	s22 =	simm.s32 $0xD800;
	s7 =	sor.u32 s7, s6;
	s4 =	sor.u32 s4, s6  }
0x18: {  	[dreg:$0x6] =	wrdreg s9;
	s13 =	sadd.s32 $0xF000, s5;
	s8 =	sadd.s32 s0, s8  }
0x19: {  	s9 =	simm.s32 $0x80;
	[dreg:$0x14] =	wrdreg s26;
	s26 =	simm.s32 $0xF800  }
0x1a: {  	s7 =	sshrl.u32 s7, $0x3;
	s4 =	sshrl.u32 s4, $0x3;
	[dreg:$0x16] =	wrdreg s13  }
0x1b: {  	s23 =	sadd.s32 s7, s2;
	s7 =	ssub.s32 s24, s25;
	s24 =	simm.s32 $0x8000  }
0x1c: {  	s13 =	simm.s32 $0x10800;
	s25 =	simm.s32 $0x9000;
	[dreg:$0x12] =	wrdreg s24  }
0x1d: {  	s2 =	sadd.s32 s4, s2;
	s6 =	sadd.s32 $0x200, s23;
	[dreg:$0x13] =	wrdreg s25  }
0x1e: {  	v3 =	vlaneseq.u32;
	v0 =	vimm.f32 $0.0e+00;
	s2 =	sadd.s32 $0x2200, s2;
	s7 =	smax.u32 s7, $0x1;
	[dreg:$0x15] =	wrdreg s6  }
0x1f: {  	vm0 =	vmmov $0xffff;
	v4 =	vimm.f32 $1.000000000e+00;
	v2 =	vshrl.u32 v3, $0x3;
	s23 =	simm.s32 $0x7800;
	s24 =	simm.s32 $0xE800;
	[dreg:$0x17] =	wrdreg s2  }
0x20: {  	v1 =	vand.u32 $0x7, v3;
	v3 =	vor.u32 $0x8, v3;
	v2 =	vmul.u32 $0x8, v2;
	s25 =	simm.s32 $0xF000;
	[dreg:$0x11] =	wrdreg s23;
	s23 =	simm.s32 $0xE000  }
.LBB2_1:
0x21: {  	s0 =	rddreg [dreg:$0x15]  }
0x22: {  	[tilespmem:s3], [sflag:$0x3] =	stream.strided.gather [hbm4b:s0+s9], $0x800, s10, s9, $0x38;
	[tilespmem:$0x12800] =	vst v63  }
0x23: {  	_ =	swait.ge [sflag:s11], $0x800  }
0x24: {  	[sflag:s11] =	ssyncset.done $0x0  }
0x25: {  	s0 =	simm.s32 $0x0;
	[sflag:s11] =	ssyncadd.s32 $0xFFFFF800  }
.LBB2_2:
0x26: {  	p0 =	sne.s32 s0, $0x7FC0  }
.Ltmp0:
0x27: {  	_ = 	snop;
	(pc) =	sbr.rel @p0 .LBB2_2-.Ltmp0, $3  }
0x28: {  	_ =	sdelay $0x1  }
0x29: {  	s2 =	sshra.s32 s0, $0x2  }
0x2a: {  	s0 =	sadd.s32 $0x40, s0;
	[tilespmem:s2+$0x10800] =	vst v0  }
0x2b: {  	s2 =	simm.s32 $0x0;
	s0 =	simm.s32 $0x80  }
.LBB2_4:
0x2c: {  	v5 =	vld [tilespmem:s0+$0xFFFFFF80];
	_ =	sdelay $0x4  }
0x2d: {  	v6 =	vshll.u32 v5, $0x1  }
0x2e: {  	v5 =	vand.u32 $0x7, v5;
	v6 =	vand.u32 $0xFFFFFFF0, v6  }
0x2f: {  	v5 =	vor.u32 v5, v6  }
0x30: {  	v6 =	vperm.xlane v5, v1;
	_ =	sdelay $0x1  }
0x31: {  	v5 =	vperm.xlane v5, v3;
	v6 =	vadd.s32 v2, v6;
	_ =	sdelay $0x1  }
0x32: {  	v5 =	vadd.s32 v2, v5;
	_ =	sdelay $0x2  }
0x33: {  	[tilespmem:s12], [sflag:$0x1] =	stream.indirect_vreg.gather [hbm4b:s1+s3], $0x80, v6, vm0, $0xb8;
	[tilespmem:$0x12800] =	vst v63  }
0x34: {  	s4 =	rddreg [dreg:$0x4]  }
0x35: {  	[tilespmem:s4], [sflag:$0x1] =	stream.indirect_vreg.gather [hbm4b:s1+s3], $0x80, v5, vm0, $0xb8;
	[tilespmem:$0x12800] =	vst v63  }
0x36: {  	v5 =	vld [tilespmem:s0+$0xFFFFFF90];
	_ =	sdelay $0x4  }
0x37: {  	v6 =	vshll.u32 v5, $0x1  }
0x38: {  	v5 =	vand.u32 $0x7, v5;
	v6 =	vand.u32 $0xFFFFFFF0, v6  }
0x39: {  	v5 =	vor.u32 v5, v6  }
0x3a: {  	v6 =	vperm.xlane v5, v1;
	_ =	sdelay $0x1  }
0x3b: {  	v5 =	vperm.xlane v5, v3;
	v6 =	vadd.s32 v2, v6;
	_ =	sdelay $0x1  }
0x3c: {  	v5 =	vadd.s32 v2, v5;
	_ =	sdelay $0x1  }
0x3d: {  	s6 =	rddreg [dreg:$0x5]  }
0x3e: {  	[tilespmem:s6], [sflag:$0x1] =	stream.indirect_vreg.gather [hbm4b:s1+s3], $0x80, v6, vm0, $0xb8;
	[tilespmem:$0x12800] =	vst v63  }
0x3f: {  	s5 =	rddreg [dreg:$0x6]  }
0x40: {  	[tilespmem:s5], [sflag:$0x1] =	stream.indirect_vreg.gather [hbm4b:s1+s3], $0x80, v5, vm0, $0xb8;
	[tilespmem:$0x12800] =	vst v63  }
0x41: {  	v5 =	vld [tilespmem:s0+$0xFFFFFFA0];
	_ =	sdelay $0x4  }
0x42: {  	v6 =	vshll.u32 v5, $0x1  }
0x43: {  	v5 =	vand.u32 $0x7, v5;
	v6 =	vand.u32 $0xFFFFFFF0, v6  }
0x44: {  	v5 =	vor.u32 v5, v6  }
0x45: {  	v6 =	vperm.xlane v5, v1;
	_ =	sdelay $0x1  }
0x46: {  	v5 =	vperm.xlane v5, v3;
	v6 =	vadd.s32 v2, v6;
	_ =	sdelay $0x1  }
0x47: {  	v5 =	vadd.s32 v2, v5;
	_ =	sdelay $0x1  }
0x48: {  	s5 =	rddreg [dreg:$0x7]  }
0x49: {  	[tilespmem:s5], [sflag:$0x1] =	stream.indirect_vreg.gather [hbm4b:s1+s3], $0x80, v6, vm0, $0xb8;
	[tilespmem:$0x12800] =	vst v63  }
0x4a: {  	s6 =	rddreg [dreg:$0x8]  }
0x4b: {  	[tilespmem:s6], [sflag:$0x1] =	stream.indirect_vreg.gather [hbm4b:s1+s3], $0x80, v5, vm0, $0xb8;
	[tilespmem:$0x12800] =	vst v63  }
0x4c: {  	v5 =	vld [tilespmem:s0+$0xFFFFFFB0];
	_ =	sdelay $0x4  }
0x4d: {  	v6 =	vshll.u32 v5, $0x1  }
0x4e: {  	v5 =	vand.u32 $0x7, v5;
	v6 =	vand.u32 $0xFFFFFFF0, v6  }
0x4f: {  	v5 =	vor.u32 v5, v6  }
0x50: {  	v6 =	vperm.xlane v5, v1;
	_ =	sdelay $0x1  }
0x51: {  	v5 =	vperm.xlane v5, v3;
	v6 =	vadd.s32 v2, v6;
	_ =	sdelay $0x1  }
0x52: {  	v5 =	vadd.s32 v2, v5;
	_ =	sdelay $0x1  }
0x53: {  	s5 =	rddreg [dreg:$0x9]  }
0x54: {  	[tilespmem:s5], [sflag:$0x1] =	stream.indirect_vreg.gather [hbm4b:s1+s3], $0x80, v6, vm0, $0xb8;
	[tilespmem:$0x12800] =	vst v63  }
0x55: {  	s6 =	rddreg [dreg:$0xa]  }
0x56: {  	[tilespmem:s6], [sflag:$0x1] =	stream.indirect_vreg.gather [hbm4b:s1+s3], $0x80, v5, vm0, $0xb8;
	[tilespmem:$0x12800] =	vst v63  }
0x57: {  	v5 =	vld [tilespmem:s0+$0xFFFFFFC0];
	_ =	sdelay $0x4  }
0x58: {  	v6 =	vshll.u32 v5, $0x1  }
0x59: {  	v5 =	vand.u32 $0x7, v5;
	v6 =	vand.u32 $0xFFFFFFF0, v6  }
0x5a: {  	v5 =	vor.u32 v5, v6  }
0x5b: {  	v6 =	vperm.xlane v5, v1;
	_ =	sdelay $0x1  }
0x5c: {  	v5 =	vperm.xlane v5, v3;
	v6 =	vadd.s32 v2, v6;
	_ =	sdelay $0x1  }
0x5d: {  	v5 =	vadd.s32 v2, v5;
	_ =	sdelay $0x1  }
0x5e: {  	s5 =	rddreg [dreg:$0xb]  }
0x5f: {  	[tilespmem:s5], [sflag:$0x1] =	stream.indirect_vreg.gather [hbm4b:s1+s3], $0x80, v6, vm0, $0xb8;
	[tilespmem:$0x12800] =	vst v63  }
0x60: {  	s6 =	rddreg [dreg:$0xc]  }
0x61: {  	[tilespmem:s6], [sflag:$0x1] =	stream.indirect_vreg.gather [hbm4b:s1+s3], $0x80, v5, vm0, $0xb8;
	[tilespmem:$0x12800] =	vst v63  }
0x62: {  	v5 =	vld [tilespmem:s0+$0xFFFFFFD0];
	_ =	sdelay $0x4  }
0x63: {  	v6 =	vshll.u32 v5, $0x1  }
0x64: {  	v5 =	vand.u32 $0x7, v5;
	v6 =	vand.u32 $0xFFFFFFF0, v6  }
0x65: {  	v5 =	vor.u32 v5, v6  }
0x66: {  	v6 =	vperm.xlane v5, v1;
	_ =	sdelay $0x1  }
0x67: {  	v5 =	vperm.xlane v5, v3;
	v6 =	vadd.s32 v2, v6;
	_ =	sdelay $0x1  }
0x68: {  	v5 =	vadd.s32 v2, v5;
	_ =	sdelay $0x1  }
0x69: {  	s5 =	rddreg [dreg:$0xd]  }
0x6a: {  	[tilespmem:s5], [sflag:$0x1] =	stream.indirect_vreg.gather [hbm4b:s1+s3], $0x80, v6, vm0, $0xb8;
	[tilespmem:$0x12800] =	vst v63  }
0x6b: {  	s6 =	rddreg [dreg:$0xe]  }
0x6c: {  	[tilespmem:s6], [sflag:$0x1] =	stream.indirect_vreg.gather [hbm4b:s1+s3], $0x80, v5, vm0, $0xb8;
	[tilespmem:$0x12800] =	vst v63  }
0x6d: {  	v5 =	vld [tilespmem:s0+$0xFFFFFFE0];
	_ =	sdelay $0x4  }
0x6e: {  	v6 =	vshll.u32 v5, $0x1  }
0x6f: {  	v5 =	vand.u32 $0x7, v5;
	v6 =	vand.u32 $0xFFFFFFF0, v6  }
0x70: {  	v5 =	vor.u32 v5, v6  }
0x71: {  	v6 =	vperm.xlane v5, v1;
	_ =	sdelay $0x1  }
0x72: {  	v5 =	vperm.xlane v5, v3;
	v6 =	vadd.s32 v2, v6;
	_ =	sdelay $0x1  }
0x73: {  	v5 =	vadd.s32 v2, v5;
	_ =	sdelay $0x1  }
0x74: {  	s5 =	rddreg [dreg:$0xf]  }
0x75: {  	[tilespmem:s5], [sflag:$0x1] =	stream.indirect_vreg.gather [hbm4b:s1+s3], $0x80, v6, vm0, $0xb8;
	[tilespmem:$0x12800] =	vst v63  }
0x76: {  	s6 =	rddreg [dreg:$0x10]  }
0x77: {  	[tilespmem:s6], [sflag:$0x1] =	stream.indirect_vreg.gather [hbm4b:s1+s3], $0x80, v5, vm0, $0xb8;
	[tilespmem:$0x12800] =	vst v63  }
0x78: {  	v5 =	vld [tilespmem:s0+$0xFFFFFFF0];
	_ =	sdelay $0x4  }
0x79: {  	v6 =	vshll.u32 v5, $0x1  }
0x7a: {  	v5 =	vand.u32 $0x7, v5;
	v6 =	vand.u32 $0xFFFFFFF0, v6  }
0x7b: {  	v5 =	vor.u32 v5, v6  }
0x7c: {  	v6 =	vperm.xlane v5, v1;
	_ =	sdelay $0x1  }
0x7d: {  	v5 =	vperm.xlane v5, v3;
	v6 =	vadd.s32 v2, v6;
	_ =	sdelay $0x1  }
0x7e: {  	v5 =	vadd.s32 v2, v5;
	_ =	sdelay $0x1  }
0x7f: {  	s5 =	rddreg [dreg:$0x11]  }
0x80: {  	[tilespmem:s5], [sflag:$0x1] =	stream.indirect_vreg.gather [hbm4b:s1+s3], $0x80, v6, vm0, $0xb8;
	[tilespmem:$0x12800] =	vst v63  }
0x81: {  	s6 =	rddreg [dreg:$0x12]  }
0x82: {  	[tilespmem:s6], [sflag:$0x1] =	stream.indirect_vreg.gather [hbm4b:s1+s3], $0x80, v5, vm0, $0xb8;
	[tilespmem:$0x12800] =	vst v63  }
0x83: {  	v5 =	vld [tilespmem:s0+$0xFFFFFF80];
	_ =	sdelay $0x7  }
0x84: {  	[tilespmem:v5+s13+$0x0] =	vst.idx.add.f32.msk $0xffff, v4  }
0x85: {  	v5 =	vld [tilespmem:s0+$0xFFFFFF90];
	_ =	sdelay $0x7  }
0x86: {  	[tilespmem:v5+s13+$0x0] =	vst.idx.add.f32.msk $0xffff, v4  }
0x87: {  	v5 =	vld [tilespmem:s0+$0xFFFFFFA0];
	_ =	sdelay $0x7  }
0x88: {  	[tilespmem:v5+s13+$0x0] =	vst.idx.add.f32.msk $0xffff, v4  }
0x89: {  	v5 =	vld [tilespmem:s0+$0xFFFFFFB0];
	_ =	sdelay $0x7  }
0x8a: {  	[tilespmem:v5+s13+$0x0] =	vst.idx.add.f32.msk $0xffff, v4  }
0x8b: {  	v5 =	vld [tilespmem:s0+$0xFFFFFFC0];
	_ =	sdelay $0x7  }
0x8c: {  	[tilespmem:v5+s13+$0x0] =	vst.idx.add.f32.msk $0xffff, v4  }
0x8d: {  	v5 =	vld [tilespmem:s0+$0xFFFFFFD0];
	_ =	sdelay $0x7  }
0x8e: {  	[tilespmem:v5+s13+$0x0] =	vst.idx.add.f32.msk $0xffff, v4  }
0x8f: {  	v5 =	vld [tilespmem:s0+$0xFFFFFFE0];
	_ =	sdelay $0x7  }
0x90: {  	[tilespmem:v5+s13+$0x0] =	vst.idx.add.f32.msk $0xffff, v4  }
0x91: {  	v5 =	vld [tilespmem:s0+$0xFFFFFFF0];
	_ =	sdelay $0x6  }
0x92: {  	p0 =	seq.s32 s2, $0x0  }
0x93: {  	s4 =	simm.s32 @!p0 $0x2;
	[tilespmem:v5+s13+$0x0] =	vst.idx.add.f32.msk $0xffff, v4  }
0x94: {  	_ =	swait.ge @!p0 [sflag:s4], $0x8000  }
0x95: {  	[sflag:s4] =	ssyncset.done @!p0 $0x0  }
0x96: {  	[sflag:s4] =	ssyncadd.s32 @!p0 $0xFFFF8000;
	s4 =	sadd.s32 @!p0 s2, s8  }
0x97: {  	s5 =	simm.s32 @!p0 $0x0;
	s6 =	simm.s32 @!p0 $0x8800;
	s4 =	sadd.s32 @!p0 $0xFFFFF000, s4  }
0x98: {  	[hbm4b:s4+s5] =	stream.linear.scatter @!p0 [tilespmem:s6], [sflag:$0x3], $0x8000, $0x38;
	[tilespmem:$0x12800] =	vst v63  }
0x99: {  	s4 =	simm.s32 @!p0 $0x3  }
0x9a: {  	_ =	swait.ge @!p0 [sflag:s4], $0x8000  }
0x9b: {  	[sflag:s4] =	ssyncset.done @!p0 $0x0  }
0x9c: {  	[sflag:s4] =	ssyncadd.s32 @!p0 $0xFFFF8000  }
0x9d: {  	v5 =	vld [tilespmem:s0+$0x0];
	_ =	sdelay $0x4  }
0x9e: {  	v6 =	vshll.u32 v5, $0x1  }
0x9f: {  	v5 =	vand.u32 $0x7, v5;
	v6 =	vand.u32 $0xFFFFFFF0, v6  }
0xa0: {  	v5 =	vor.u32 v5, v6  }
0xa1: {  	v6 =	vperm.xlane v5, v1;
	_ =	sdelay $0x1  }
0xa2: {  	v5 =	vperm.xlane v5, v3;
	v6 =	vadd.s32 v2, v6;
	_ =	sdelay $0x1  }
0xa3: {  	v5 =	vadd.s32 v2, v5;
	_ =	sdelay $0x2  }
0xa4: {  	[tilespmem:s14], [sflag:$0x2] =	stream.indirect_vreg.gather [hbm4b:s1+s3], $0x80, v6, vm0, $0xb8;
	[tilespmem:$0x12800] =	vst v63  }
0xa5: {  	s6 =	rddreg [dreg:$0x13]  }
0xa6: {  	[tilespmem:s6], [sflag:$0x2] =	stream.indirect_vreg.gather [hbm4b:s1+s3], $0x80, v5, vm0, $0xb8;
	[tilespmem:$0x12800] =	vst v63  }
0xa7: {  	v5 =	vld [tilespmem:s0+$0x10];
	_ =	sdelay $0x4  }
0xa8: {  	v6 =	vshll.u32 v5, $0x1  }
0xa9: {  	v5 =	vand.u32 $0x7, v5;
	v6 =	vand.u32 $0xFFFFFFF0, v6  }
0xaa: {  	v5 =	vor.u32 v5, v6  }
0xab: {  	v6 =	vperm.xlane v5, v1;
	_ =	sdelay $0x1  }
0xac: {  	v5 =	vperm.xlane v5, v3;
	v6 =	vadd.s32 v2, v6;
	_ =	sdelay $0x1  }
0xad: {  	v5 =	vadd.s32 v2, v5;
	_ =	sdelay $0x1  }
0xae: {  	s5 =	rddreg [dreg:$0x14]  }
0xaf: {  	[tilespmem:s5], [sflag:$0x2] =	stream.indirect_vreg.gather [hbm4b:s1+s3], $0x80, v6, vm0, $0xb8;
	[tilespmem:$0x12800] =	vst v63  }
0xb0: {  	_ = 	snop  }
0xb1: {  	[tilespmem:s15], [sflag:$0x2] =	stream.indirect_vreg.gather [hbm4b:s1+s3], $0x80, v5, vm0, $0xb8;
	[tilespmem:$0x12800] =	vst v63  }
0xb2: {  	v5 =	vld [tilespmem:s0+$0x20];
	_ =	sdelay $0x4  }
0xb3: {  	v6 =	vshll.u32 v5, $0x1  }
0xb4: {  	v5 =	vand.u32 $0x7, v5;
	v6 =	vand.u32 $0xFFFFFFF0, v6  }
0xb5: {  	v5 =	vor.u32 v5, v6  }
0xb6: {  	v6 =	vperm.xlane v5, v1;
	_ =	sdelay $0x1  }
0xb7: {  	v5 =	vperm.xlane v5, v3;
	v6 =	vadd.s32 v2, v6;
	_ =	sdelay $0x1  }
0xb8: {  	v5 =	vadd.s32 v2, v5;
	_ =	sdelay $0x2  }
0xb9: {  	[tilespmem:s16], [sflag:$0x2] =	stream.indirect_vreg.gather [hbm4b:s1+s3], $0x80, v6, vm0, $0xb8;
	[tilespmem:$0x12800] =	vst v63  }
0xba: {  	_ = 	snop  }
0xbb: {  	[tilespmem:s17], [sflag:$0x2] =	stream.indirect_vreg.gather [hbm4b:s1+s3], $0x80, v5, vm0, $0xb8;
	[tilespmem:$0x12800] =	vst v63  }
0xbc: {  	v5 =	vld [tilespmem:s0+$0x30];
	_ =	sdelay $0x4  }
0xbd: {  	v6 =	vshll.u32 v5, $0x1  }
0xbe: {  	v5 =	vand.u32 $0x7, v5;
	v6 =	vand.u32 $0xFFFFFFF0, v6  }
0xbf: {  	v5 =	vor.u32 v5, v6  }
0xc0: {  	v6 =	vperm.xlane v5, v1;
	_ =	sdelay $0x1  }
0xc1: {  	v5 =	vperm.xlane v5, v3;
	v6 =	vadd.s32 v2, v6;
	_ =	sdelay $0x1  }
0xc2: {  	v5 =	vadd.s32 v2, v5;
	_ =	sdelay $0x2  }
0xc3: {  	[tilespmem:s18], [sflag:$0x2] =	stream.indirect_vreg.gather [hbm4b:s1+s3], $0x80, v6, vm0, $0xb8;
	[tilespmem:$0x12800] =	vst v63  }
0xc4: {  	_ = 	snop  }
0xc5: {  	[tilespmem:s19], [sflag:$0x2] =	stream.indirect_vreg.gather [hbm4b:s1+s3], $0x80, v5, vm0, $0xb8;
	[tilespmem:$0x12800] =	vst v63  }
0xc6: {  	v5 =	vld [tilespmem:s0+$0x40];
	_ =	sdelay $0x4  }
0xc7: {  	v6 =	vshll.u32 v5, $0x1  }
0xc8: {  	v5 =	vand.u32 $0x7, v5;
	v6 =	vand.u32 $0xFFFFFFF0, v6  }
0xc9: {  	v5 =	vor.u32 v5, v6  }
0xca: {  	v6 =	vperm.xlane v5, v1;
	_ =	sdelay $0x1  }
0xcb: {  	v5 =	vperm.xlane v5, v3;
	v6 =	vadd.s32 v2, v6;
	_ =	sdelay $0x1  }
0xcc: {  	v5 =	vadd.s32 v2, v5;
	_ =	sdelay $0x2  }
0xcd: {  	[tilespmem:s20], [sflag:$0x2] =	stream.indirect_vreg.gather [hbm4b:s1+s3], $0x80, v6, vm0, $0xb8;
	[tilespmem:$0x12800] =	vst v63  }
0xce: {  	_ = 	snop  }
0xcf: {  	[tilespmem:s21], [sflag:$0x2] =	stream.indirect_vreg.gather [hbm4b:s1+s3], $0x80, v5, vm0, $0xb8;
	[tilespmem:$0x12800] =	vst v63  }
0xd0: {  	v5 =	vld [tilespmem:s0+$0x50];
	_ =	sdelay $0x4  }
0xd1: {  	v6 =	vshll.u32 v5, $0x1  }
0xd2: {  	v5 =	vand.u32 $0x7, v5;
	v6 =	vand.u32 $0xFFFFFFF0, v6  }
0xd3: {  	v5 =	vor.u32 v5, v6  }
0xd4: {  	v6 =	vperm.xlane v5, v1;
	_ =	sdelay $0x1  }
0xd5: {  	v5 =	vperm.xlane v5, v3;
	v6 =	vadd.s32 v2, v6;
	_ =	sdelay $0x1  }
0xd6: {  	v5 =	vadd.s32 v2, v5;
	_ =	sdelay $0x2  }
0xd7: {  	[tilespmem:s22], [sflag:$0x2] =	stream.indirect_vreg.gather [hbm4b:s1+s3], $0x80, v6, vm0, $0xb8;
	[tilespmem:$0x12800] =	vst v63  }
0xd8: {  	_ = 	snop  }
0xd9: {  	[tilespmem:s23], [sflag:$0x2] =	stream.indirect_vreg.gather [hbm4b:s1+s3], $0x80, v5, vm0, $0xb8;
	[tilespmem:$0x12800] =	vst v63  }
0xda: {  	v5 =	vld [tilespmem:s0+$0x60];
	_ =	sdelay $0x4  }
0xdb: {  	v6 =	vshll.u32 v5, $0x1  }
0xdc: {  	v5 =	vand.u32 $0x7, v5;
	v6 =	vand.u32 $0xFFFFFFF0, v6  }
0xdd: {  	v5 =	vor.u32 v5, v6  }
0xde: {  	v6 =	vperm.xlane v5, v1;
	_ =	sdelay $0x1  }
0xdf: {  	v5 =	vperm.xlane v5, v3;
	v6 =	vadd.s32 v2, v6;
	_ =	sdelay $0x1  }
0xe0: {  	v5 =	vadd.s32 v2, v5;
	_ =	sdelay $0x2  }
0xe1: {  	[tilespmem:s24], [sflag:$0x2] =	stream.indirect_vreg.gather [hbm4b:s1+s3], $0x80, v6, vm0, $0xb8;
	[tilespmem:$0x12800] =	vst v63  }
0xe2: {  	_ = 	snop  }
0xe3: {  	[tilespmem:s25], [sflag:$0x2] =	stream.indirect_vreg.gather [hbm4b:s1+s3], $0x80, v5, vm0, $0xb8;
	[tilespmem:$0x12800] =	vst v63  }
0xe4: {  	v5 =	vld [tilespmem:s0+$0x70];
	_ =	sdelay $0x4  }
0xe5: {  	v6 =	vshll.u32 v5, $0x1  }
0xe6: {  	v5 =	vand.u32 $0x7, v5;
	v6 =	vand.u32 $0xFFFFFFF0, v6  }
0xe7: {  	v5 =	vor.u32 v5, v6  }
0xe8: {  	v6 =	vperm.xlane v5, v1;
	_ =	sdelay $0x1  }
0xe9: {  	v5 =	vperm.xlane v5, v3;
	v6 =	vadd.s32 v2, v6;
	_ =	sdelay $0x1  }
0xea: {  	v5 =	vadd.s32 v2, v5;
	_ =	sdelay $0x2  }
0xeb: {  	[tilespmem:s26], [sflag:$0x2] =	stream.indirect_vreg.gather [hbm4b:s1+s3], $0x80, v6, vm0, $0xb8;
	[tilespmem:$0x12800] =	vst v63  }
0xec: {  	_ = 	snop  }
0xed: {  	[tilespmem:s28], [sflag:$0x2] =	stream.indirect_vreg.gather [hbm4b:s1+s3], $0x80, v5, vm0, $0xb8;
	[tilespmem:$0x12800] =	vst v63  }
0xee: {  	v5 =	vld [tilespmem:s0+$0x0];
	_ =	sdelay $0x7  }
0xef: {  	[tilespmem:v5+s13+$0x0] =	vst.idx.add.f32.msk $0xffff, v4  }
0xf0: {  	v5 =	vld [tilespmem:s0+$0x10];
	_ =	sdelay $0x7  }
0xf1: {  	[tilespmem:v5+s13+$0x0] =	vst.idx.add.f32.msk $0xffff, v4  }
0xf2: {  	v5 =	vld [tilespmem:s0+$0x20];
	_ =	sdelay $0x7  }
0xf3: {  	[tilespmem:v5+s13+$0x0] =	vst.idx.add.f32.msk $0xffff, v4  }
0xf4: {  	v5 =	vld [tilespmem:s0+$0x30];
	_ =	sdelay $0x7  }
0xf5: {  	[tilespmem:v5+s13+$0x0] =	vst.idx.add.f32.msk $0xffff, v4  }
0xf6: {  	v5 =	vld [tilespmem:s0+$0x40];
	_ =	sdelay $0x7  }
0xf7: {  	[tilespmem:v5+s13+$0x0] =	vst.idx.add.f32.msk $0xffff, v4  }
0xf8: {  	v5 =	vld [tilespmem:s0+$0x50];
	_ =	sdelay $0x7  }
0xf9: {  	[tilespmem:v5+s13+$0x0] =	vst.idx.add.f32.msk $0xffff, v4  }
0xfa: {  	v5 =	vld [tilespmem:s0+$0x60];
	_ =	sdelay $0x7  }
0xfb: {  	[tilespmem:v5+s13+$0x0] =	vst.idx.add.f32.msk $0xffff, v4  }
0xfc: {  	v5 =	vld [tilespmem:s0+$0x70];
	_ =	sdelay $0x7  }
0xfd: {  	[tilespmem:v5+s13+$0x0] =	vst.idx.add.f32.msk $0xffff, v4  }
0xfe: {  	s6 =	sadd.s32 s2, s8;
	s2 =	sadd.s32 $0x2000, s2;
	_ =	swait.ge [sflag:s29], $0x8000  }
0xff: {  	p0 =	sne.s32 s2, $0x10000;
	[sflag:s29] =	ssyncset.done $0x0  }
.Ltmp1:
0x100: {  	[sflag:s29] =	ssyncadd.s32 $0xFFFF8000;
	(pc) =	sbr.rel @p0 .LBB2_4-.Ltmp1, $4  }
0x101: {  	[hbm4b:s6+s3] =	stream.linear.scatter [tilespmem:s12], [sflag:$0x3], $0x8000, $0x38;
	[tilespmem:$0x12800] =	vst v63  }
0x102: {  	_ =	swait.ge [sflag:s11], $0x8000  }
0x103: {  	[sflag:s11] =	ssyncset.done $0x0  }
0x104: {  	s0 =	sadd.s32 $0x100, s0;
	[sflag:s11] =	ssyncadd.s32 $0xFFFF8000  }
0x105: {  	_ =	swait.ge [sflag:s30], $0x8000  }
0x106: {  	[sflag:s30] =	ssyncset.done $0x0  }
0x107: {  	s0 =	rddreg [dreg:$0x16];
	[sflag:s30] =	ssyncadd.s32 $0xFFFF8000  }
0x108: {  	[hbm4b:s0+s3] =	stream.linear.scatter [tilespmem:s14], [sflag:$0x3], $0x8000, $0x38;
	[tilespmem:$0x12800] =	vst v63  }
0x109: {  	s31 =	sadd.s32 $0x1, s31;
	_ =	swait.ge [sflag:s11], $0x8000  }
0x10a: {  	p0 =	sne.s32 s31, s7;
	[sflag:s11] =	ssyncset.done $0x0  }
.Ltmp2:
0x10b: {  	s6 =	rddreg [dreg:$0x17];
	[sflag:s11] =	ssyncadd.s32 $0xFFFF8000;
	(pc) =	sbr.rel @p0 .LBB2_1-.Ltmp2, $4  }
0x10c: {  	[hbm4b:s6+s9] =	stream.strided.scatter [tilespmem:s13], [sflag:$0x3], $0x2000, s10, s9, $0x38;
	[tilespmem:$0x12800] =	vst v63  }
0x10d: {  	_ =	swait.ge [sflag:s11], $0x2000  }
0x10e: {  	[sflag:s11] =	ssyncset.done $0x0  }
0x10f: {  	[sflag:s11] =	ssyncadd.s32 $0xFFFFE000  }
0x110: {  	_ =	sfence.sel $0x180000  }
0x111: {  	[bflag:$0x0] =	sbarrier.arrive $0xFFFF  }
0x112: {  	_ =	strace $0x90000047  }
0x113: {  	s0 =	stileid.u32;
	[bflag:$0x2] =	sbarrier.arrive $0xFFFF  }
0x114: {  	p0 =	sne.s32 s0, $0x0;
	s0 =	rddreg [dreg:$0x3]  }
0x115: {  	s0 =	sadd.s32 @!p0 $0x100000, s0  }
0x116: {  	[sflag:s0] =	ssyncadd.tile.s32 @!p0 $0x1;
	_ =	shalt  }
.Lfunc_end2:
_tile_overlayer_lowered:
.L_overlay_start_2:
0x117: {  	(tag) =	ssettag $0x2  }
0x118: {  	s0 =	rddreg [dreg:$0x0];
	s2 =	stileid.u32  }
0x119: {  	s1 =	rddreg [dreg:$0x1];
	p0 =	sne.s32 s2, $0x0  }
0x11a: {  	s3 =	rddreg [dreg:$0x2];
	[bflag:$0x3] =	sbarrier.arrive $0xFFFF;
	s2 =	simm.s32 @!p0 $0x1C03  }
0x11b: {  	[timem:s3], [sflag:s2] =	dma.local @!p0 [hbm:s0], s1  }
0x11c: {  	s0 =	simm.s32 @!p0 $0x3  }
0x11d: {  	_ =	swait.ge @!p0 [sflag:s0], s1  }
0x11e: {  	s1 =	ssub.s32 @!p0 $0x0, s1;
	[sflag:s0] =	ssyncset.done @!p0 $0x0  }
0x11f: {  	[sflag:s0] =	ssyncadd.s32 @!p0 s1  }
0x120: {  	[bflag:$0x3] =	sbarrier.arrive $0xFFFF  }
0x121: {  	_ =	shalt  }

</sc_bundles>
